<compile_context>
chip_gen: v7x
topology: tpu7x:2x2x1
jax: 0.10.2.dev20260603
libtpu: 0.0.44.dev20260713+nightly
codegen_flags: <defaults>
</compile_context>

<pallas_src>
import functools

import jax
import jax.numpy as jnp
from jax import lax
from jax.experimental import pallas as pl
from jax.experimental.pallas import tpu as pltpu
from jax.experimental.pallas import tpu_sc as plsc

B = 32
TRACKS = 16
VARS = 512
CH = 64
NCORES = 2
CPW = CH // 2
L = 16
NJ = VARS // L


@functools.partial(
    pl.kernel,
    mesh=plsc.VectorSubcoreMesh(core_axis_name="c", subcore_axis_name="s"),
    out_type=jax.ShapeDtypeStruct((B, TRACKS, CH, VARS), jnp.float32),
    scratch_types=[
        pltpu.VMEM((VARS,), jnp.int32),
        pltpu.VMEM((2, CPW, VARS), jnp.float32),
        pltpu.VMEM((2, CPW, VARS), jnp.float32),
        pltpu.SemaphoreType.DMA,
        pltpu.SemaphoreType.DMA,
    ],
    compiler_params=pltpu.CompilerParams(needs_layout_passes=False),
)
def _scramble_sc(x_hbm, perm_hbm, out_hbm, perm_v, in_v, out_v, isem, osem):
    wid = lax.axis_index("s") * NCORES + lax.axis_index("c")
    t = wid // 2
    c0 = (wid % 2) * CPW
    pltpu.sync_copy(perm_hbm.at[t], perm_v)

    def in_desc(b, buf):
        return pltpu.make_async_copy(
            x_hbm.at[b, t, pl.ds(c0, CPW), :], in_v.at[buf], isem)

    def out_desc(b, buf):
        return pltpu.make_async_copy(
            out_v.at[buf], out_hbm.at[b, t, pl.ds(c0, CPW), :], osem)

    in_desc(0, 0).start()

    def per_batch(b, carry):
        buf = lax.rem(b, 2)

        @pl.when(b + 1 < B)
        def _():
            in_desc(b + 1, 1 - buf).start()

        in_desc(b, buf).wait()

        @pl.when(b >= 2)
        def _():
            out_desc(b - 2, buf).wait()

        src = in_v.at[buf]
        dst = out_v.at[buf]

        @plsc.parallel_loop(0, NJ, unroll=2)
        def per_group(j):
            pvec = perm_v[pl.ds(j * L, L)]
            vals = []
            for c in range(CPW):
                cvec = jnp.full((L,), c, jnp.int32)
                vals.append(plsc.load_gather(src, [cvec, pvec]))
            for c in range(CPW):
                dst[c, pl.ds(j * L, L)] = vals[c]
        out_desc(b, buf).start()
        return carry

    lax.fori_loop(0, B, per_batch, 0)
    out_desc(B - 2, 0).wait()
    out_desc(B - 1, 1).wait()


def kernel(x, perm):
    perm32 = perm.astype(jnp.int32)
    xt = jnp.transpose(x, (0, 1, 3, 2))
    out_t = _scramble_sc(xt, perm32)
    return jnp.transpose(out_t, (0, 1, 3, 2))

# --- scband reference (transcript-rebuilt; emitter-appended) ---
"""Pipeline reference for scband-scramble-tracks-29944511988041 (READ-ONLY COPY).

The authoritative reference and input builder live on the scoring server;
editing this copy changes nothing except your own understanding.
"""

import jax, jax.numpy as jnp
import numpy as np

TRACKS = 16
VARIABLES = 512

def setup_inputs(seed: int = 0) -> dict:
    key = jax.random.key(seed)
    x = jax.random.normal(jax.random.fold_in(key, 0), (32, TRACKS, VARIABLES, 64), dtype=jnp.float32)
    perm = jnp.stack([jax.random.permutation(jax.random.fold_in(key, 100 + t), VARIABLES) for t in range(TRACKS)]).astype(jnp.int64)
    return {"x": x, "perm": perm}

def reference(x, perm):
    # x: [B, tracks, variables, C]; perm: [tracks, variables]
    # torch: x[:, torch.arange(x.shape[1])[:, None], self.perm, :]
    tracks = x.shape[1]
    track_idx = jnp.arange(tracks)[:, None]  # [tracks, 1]
    out = x[:, track_idx, perm, :]           # [B, tracks, variables, C]
    return out

if __name__ == "__main__":
    import jax
    _d = setup_inputs()
    print(jax.jit(kernel)(*tuple(_d.values())))

</pallas_src>

<mosaic_0001>
#map = affine_map<(d0, d1) -> (0, 0, 0, 0)>
#map1 = affine_map<(d0, d1) -> (0, 0)>
module attributes {stable_mosaic.version = 14 : i64} {
  func.func @_scramble_sc(%arg0: i32, %arg1: i32, %arg2: memref<32x16x64x512xf32, #tpu.memory_space<hbm>>, %arg3: memref<16x512xi32, #tpu.memory_space<hbm>>, %arg4: memref<32x16x64x512xf32, #tpu.memory_space<hbm>>, %arg5: memref<512xi32, #tpu.memory_space<vmem>>, %arg6: memref<2x32x512xf32, #tpu.memory_space<vmem>>, %arg7: memref<2x32x512xf32, #tpu.memory_space<vmem>>, %arg8: memref<!tpu.dma_semaphore, #tpu.memory_space<semaphore_mem>>, %arg9: memref<!tpu.dma_semaphore, #tpu.memory_space<semaphore_mem>>) attributes {dimension_semantics = [#tpu.dimension_semantics<core_parallel>, #tpu.dimension_semantics<subcore_parallel>], iteration_bounds = array<i64: 2, 16>, scalar_prefetch = 0 : i64, scratch_operands = 5 : i64, tpu.core_type = #tpu.core_type<sc_vector_subcore>, window_params = [{transform_indices = #map}, {transform_indices = #map1}, {transform_indices = #map}]} {
    %mul3A = arith.constant 2 : i32
    %mul3A_0 = arith.muli %arg1, %mul3A : i32
    %add3A = arith.addi %mul3A_0, %arg0 : i32
    %jit3A = arith.constant 2 : i32
    %div3A = arith.divsi %add3A, %jit3A : i32
    %sign3A = arith.constant 0 : i32
    %sign3A_1 = arith.cmpi sgt, %add3A, %sign3A : i32
    %sign3A_2 = arith.extui %sign3A_1 : i1 to i32
    %sign3A_3 = arith.constant 0 : i32
    %sign3A_4 = arith.cmpi slt, %add3A, %sign3A_3 : i32
    %sign3A_5 = arith.extui %sign3A_4 : i1 to i32
    %sign3A_6 = arith.subi %sign3A_2, %sign3A_5 : i32
    %sign3A_7 = arith.constant 0 : i32
    %sign3A_8 = arith.cmpi sgt, %jit3A, %sign3A_7 : i32
    %sign3A_9 = arith.extui %sign3A_8 : i1 to i32
    %sign3A_10 = arith.constant 0 : i32
    %sign3A_11 = arith.cmpi slt, %jit3A, %sign3A_10 : i32
    %sign3A_12 = arith.extui %sign3A_11 : i1 to i32
    %sign3A_13 = arith.subi %sign3A_9, %sign3A_12 : i32
    %ne3A = arith.cmpi ne, %sign3A_6, %sign3A_13 : i32
    %rem3A = arith.remsi %add3A, %jit3A : i32
    %ne3A_14 = arith.constant 0 : i32
    %ne3A_15 = arith.cmpi ne, %rem3A, %ne3A_14 : i32
    %and3A = arith.andi %ne3A, %ne3A_15 : i1
    %sub3A = arith.constant 1 : i32
    %sub3A_16 = arith.subi %div3A, %sub3A : i32
    %select_n3A = arith.select %and3A, %sub3A_16, %div3A : i32
    %jit3A_17 = arith.constant 2 : i32
    %eq3A = arith.constant 0 : i32
    %eq3A_18 = arith.cmpi eq, %jit3A_17, %eq3A : i32
    %jit3A_19 = arith.constant 1 : i32
    %select_n3A_20 = arith.select %eq3A_18, %jit3A_19, %jit3A_17 : i32
    %rem3A_21 = arith.remsi %add3A, %select_n3A_20 : i32
    %ne3A_22 = arith.constant 0 : i32
    %ne3A_23 = arith.cmpi ne, %rem3A_21, %ne3A_22 : i32
    %lt3A = arith.constant 0 : i32
    %lt3A_24 = arith.cmpi slt, %rem3A_21, %lt3A : i32
    %lt3A_25 = arith.constant 0 : i32
    %lt3A_26 = arith.cmpi slt, %select_n3A_20, %lt3A_25 : i32
    %ne3A_27 = arith.xori %lt3A_24, %lt3A_26 : i1
    %and3A_28 = arith.andi %ne3A_27, %ne3A_23 : i1
    %add3A_29 = arith.addi %rem3A_21, %select_n3A_20 : i32
    %select_n3A_30 = arith.select %and3A_28, %add3A_29, %rem3A_21 : i32
    %mul3A_31 = arith.constant 32 : i32
    %mul3A_32 = arith.muli %select_n3A_30, %mul3A_31 : i32
    "tpu.region"() ({
      %run_scoped3A = tpu.sem_alloc : memref<!tpu.dma_semaphore, #tpu.memory_space<semaphore_mem>>
      %dma_start3A_84 = arith.constant 0 : i32
      %dma_start3A_85 = tpu.memref_slice %arg3[%select_n3A, %dma_start3A_84] : memref<16x512xi32, #tpu.memory_space<hbm>> -> memref<1x512xi32, #tpu.memory_space<hbm>>
      %dma_start3A_86 = tpu.memref_squeeze %dma_start3A_85 : memref<1x512xi32, #tpu.memory_space<hbm>> -> memref<512xi32, #tpu.memory_space<hbm>>
      %dma_start3A_87 = arith.constant 0 : i32
      %dma_start3A_88 = tpu.memref_slice %arg3[%select_n3A, %dma_start3A_87] : memref<16x512xi32, #tpu.memory_space<hbm>> -> memref<1x512xi32, #tpu.memory_space<hbm>>
      %dma_start3A_89 = tpu.memref_squeeze %dma_start3A_88 : memref<1x512xi32, #tpu.memory_space<hbm>> -> memref<512xi32, #tpu.memory_space<hbm>>
      tpu.enqueue_dma source(%dma_start3A_89 : memref<512xi32, #tpu.memory_space<hbm>>) target(%arg5 : memref<512xi32, #tpu.memory_space<vmem>>) target_semaphore(%run_scoped3A : memref<!tpu.dma_semaphore, #tpu.memory_space<semaphore_mem>>)
      %dma_wait3A_90 = arith.constant 0 : i32
      %dma_wait3A_91 = tpu.memref_slice %arg3[%select_n3A, %dma_wait3A_90] : memref<16x512xi32, #tpu.memory_space<hbm>> -> memref<1x512xi32, #tpu.memory_space<hbm>>
      %dma_wait3A_92 = tpu.memref_squeeze %dma_wait3A_91 : memref<1x512xi32, #tpu.memory_space<hbm>> -> memref<512xi32, #tpu.memory_space<hbm>>
      %dma_wait3A_93 = arith.constant 0 : i32
      %dma_wait3A_94 = tpu.memref_slice %arg3[%select_n3A, %dma_wait3A_93] : memref<16x512xi32, #tpu.memory_space<hbm>> -> memref<1x512xi32, #tpu.memory_space<hbm>>
      %dma_wait3A_95 = tpu.memref_squeeze %dma_wait3A_94 : memref<1x512xi32, #tpu.memory_space<hbm>> -> memref<512xi32, #tpu.memory_space<hbm>>
      tpu.wait_dma2 semaphore(%run_scoped3A : memref<!tpu.dma_semaphore, #tpu.memory_space<semaphore_mem>>) src(%dma_wait3A_95 : memref<512xi32, #tpu.memory_space<hbm>>) dst(%arg5 : memref<512xi32, #tpu.memory_space<vmem>>)
      tpu.yield
    }) : () -> ()
    %dma_start3A = arith.constant 0 : i32
    %dma_start3A_33 = arith.constant 0 : i32
    %dma_start3A_34 = arith.constant 0 : i32
    %dma_start3A_35 = arith.constant 0 : i32
    %dma_start3A_36 = tpu.memref_slice %arg6[%dma_start3A_33, %dma_start3A_34, %dma_start3A_35] : memref<2x32x512xf32, #tpu.memory_space<vmem>> -> memref<1x32x512xf32, #tpu.memory_space<vmem>>
    %dma_start3A_37 = tpu.memref_squeeze %dma_start3A_36 : memref<1x32x512xf32, #tpu.memory_space<vmem>> -> memref<32x512xf32, #tpu.memory_space<vmem>>
    %dma_start3A_38 = arith.constant 0 : i32
    %dma_start3A_39 = tpu.memref_slice %arg2[%dma_start3A, %select_n3A, %mul3A_32, %dma_start3A_38] : memref<32x16x64x512xf32, #tpu.memory_space<hbm>> -> memref<1x1x32x512xf32, #tpu.memory_space<hbm>>
    %dma_start3A_40 = tpu.memref_squeeze %dma_start3A_39 : memref<1x1x32x512xf32, #tpu.memory_space<hbm>> -> memref<32x512xf32, #tpu.memory_space<hbm>>
    %dma_start3A_41 = arith.constant 0 : i32
    %dma_start3A_42 = arith.constant 0 : i32
    %dma_start3A_43 = tpu.memref_slice %arg6[%dma_start3A_33, %dma_start3A_41, %dma_start3A_42] : memref<2x32x512xf32, #tpu.memory_space<vmem>> -> memref<1x32x512xf32, #tpu.memory_space<vmem>>
    %dma_start3A_44 = tpu.memref_squeeze %dma_start3A_43 : memref<1x32x512xf32, #tpu.memory_space<vmem>> -> memref<32x512xf32, #tpu.memory_space<vmem>>
    %dma_start3A_45 = arith.constant 0 : i32
    %dma_start3A_46 = tpu.memref_slice %arg2[%dma_start3A, %select_n3A, %mul3A_32, %dma_start3A_45] : memref<32x16x64x512xf32, #tpu.memory_space<hbm>> -> memref<1x1x32x512xf32, #tpu.memory_space<hbm>>
    %dma_start3A_47 = tpu.memref_squeeze %dma_start3A_46 : memref<1x1x32x512xf32, #tpu.memory_space<hbm>> -> memref<32x512xf32, #tpu.memory_space<hbm>>
    tpu.enqueue_dma source(%dma_start3A_47 : memref<32x512xf32, #tpu.memory_space<hbm>>) target(%dma_start3A_44 : memref<32x512xf32, #tpu.memory_space<vmem>>) target_semaphore(%arg8 : memref<!tpu.dma_semaphore, #tpu.memory_space<semaphore_mem>>)
    %scan3A = arith.constant 0 : i32
    %scan3A_48 = arith.constant 0 : i32
    %scan3A_49 = arith.constant 32 : i32
    %scan3A_50 = arith.addi %scan3A_48, %scan3A_49 : i32
    %scan3A_51 = arith.constant 1 : i32
    scf.for %scan3A_84 = %scan3A_48 to %scan3A_50 step %scan3A_51  : i32 {
      %rem3A_85 = arith.constant 2 : i32
      %rem3A_86 = arith.remsi %scan3A_84, %rem3A_85 : i32
      %add3A_87 = arith.constant 1 : i32
      %add3A_88 = arith.addi %scan3A_84, %add3A_87 : i32
      %lt3A_89 = arith.constant 32 : i32
      %lt3A_90 = arith.cmpi slt, %add3A_88, %lt3A_89 : i32
      %convert_element_type3A = arith.extui %lt3A_90 : i1 to i32
      %cond3A = arith.constant 0 : i32
      %cond3A_91 = arith.cmpi ne, %convert_element_type3A, %cond3A : i32
      scf.if %cond3A_91 {
        %add3A_126 = arith.constant 1 : i32
        %add3A_127 = arith.addi %scan3A_84, %add3A_126 : i32
        %sub3A_128 = arith.constant 1 : i32
        %sub3A_129 = arith.subi %sub3A_128, %rem3A_86 : i32
        %dma_start3A_130 = arith.constant 0 : i32
        %dma_start3A_131 = arith.constant 0 : i32
        %dma_start3A_132 = tpu.memref_slice %arg6[%sub3A_129, %dma_start3A_130, %dma_start3A_131] : memref<2x32x512xf32, #tpu.memory_space<vmem>> -> memref<1x32x512xf32, #tpu.memory_space<vmem>>
        %dma_start3A_133 = tpu.memref_squeeze %dma_start3A_132 : memref<1x32x512xf32, #tpu.memory_space<vmem>> -> memref<32x512xf32, #tpu.memory_space<vmem>>
        %dma_start3A_134 = arith.constant 0 : i32
        %dma_start3A_135 = tpu.memref_slice %arg2[%add3A_127, %select_n3A, %mul3A_32, %dma_start3A_134] : memref<32x16x64x512xf32, #tpu.memory_space<hbm>> -> memref<1x1x32x512xf32, #tpu.memory_space<hbm>>
        %dma_start3A_136 = tpu.memref_squeeze %dma_start3A_135 : memref<1x1x32x512xf32, #tpu.memory_space<hbm>> -> memref<32x512xf32, #tpu.memory_space<hbm>>
        %dma_start3A_137 = arith.constant 0 : i32
        %dma_start3A_138 = arith.constant 0 : i32
        %dma_start3A_139 = tpu.memref_slice %arg6[%sub3A_129, %dma_start3A_137, %dma_start3A_138] : memref<2x32x512xf32, #tpu.memory_space<vmem>> -> memref<1x32x512xf32, #tpu.memory_space<vmem>>
        %dma_start3A_140 = tpu.memref_squeeze %dma_start3A_139 : memref<1x32x512xf32, #tpu.memory_space<vmem>> -> memref<32x512xf32, #tpu.memory_space<vmem>>
        %dma_start3A_141 = arith.constant 0 : i32
        %dma_start3A_142 = tpu.memref_slice %arg2[%add3A_127, %select_n3A, %mul3A_32, %dma_start3A_141] : memref<32x16x64x512xf32, #tpu.memory_space<hbm>> -> memref<1x1x32x512xf32, #tpu.memory_space<hbm>>
        %dma_start3A_143 = tpu.memref_squeeze %dma_start3A_142 : memref<1x1x32x512xf32, #tpu.memory_space<hbm>> -> memref<32x512xf32, #tpu.memory_space<hbm>>
        tpu.enqueue_dma source(%dma_start3A_143 : memref<32x512xf32, #tpu.memory_space<hbm>>) target(%dma_start3A_140 : memref<32x512xf32, #tpu.memory_space<vmem>>) target_semaphore(%arg8 : memref<!tpu.dma_semaphore, #tpu.memory_space<semaphore_mem>>)
      } else {
      }
      %dma_wait3A_92 = arith.constant 0 : i32
      %dma_wait3A_93 = arith.constant 0 : i32
      %dma_wait3A_94 = tpu.memref_slice %arg6[%rem3A_86, %dma_wait3A_92, %dma_wait3A_93] : memref<2x32x512xf32, #tpu.memory_space<vmem>> -> memref<1x32x512xf32, #tpu.memory_space<vmem>>
      %dma_wait3A_95 = tpu.memref_squeeze %dma_wait3A_94 : memref<1x32x512xf32, #tpu.memory_space<vmem>> -> memref<32x512xf32, #tpu.memory_space<vmem>>
      %dma_wait3A_96 = arith.constant 0 : i32
      %dma_wait3A_97 = tpu.memref_slice %arg2[%scan3A_84, %select_n3A, %mul3A_32, %dma_wait3A_96] : memref<32x16x64x512xf32, #tpu.memory_space<hbm>> -> memref<1x1x32x512xf32, #tpu.memory_space<hbm>>
      %dma_wait3A_98 = tpu.memref_squeeze %dma_wait3A_97 : memref<1x1x32x512xf32, #tpu.memory_space<hbm>> -> memref<32x512xf32, #tpu.memory_space<hbm>>
      %dma_wait3A_99 = arith.constant 0 : i32
      %dma_wait3A_100 = arith.constant 0 : i32
      %dma_wait3A_101 = tpu.memref_slice %arg6[%rem3A_86, %dma_wait3A_99, %dma_wait3A_100] : memref<2x32x512xf32, #tpu.memory_space<vmem>> -> memref<1x32x512xf32, #tpu.memory_space<vmem>>
      %dma_wait3A_102 = tpu.memref_squeeze %dma_wait3A_101 : memref<1x32x512xf32, #tpu.memory_space<vmem>> -> memref<32x512xf32, #tpu.memory_space<vmem>>
      %dma_wait3A_103 = arith.constant 0 : i32
      %dma_wait3A_104 = tpu.memref_slice %arg2[%scan3A_84, %select_n3A, %mul3A_32, %dma_wait3A_103] : memref<32x16x64x512xf32, #tpu.memory_space<hbm>> -> memref<1x1x32x512xf32, #tpu.memory_space<hbm>>
      %dma_wait3A_105 = tpu.memref_squeeze %dma_wait3A_104 : memref<1x1x32x512xf32, #tpu.memory_space<hbm>> -> memref<32x512xf32, #tpu.memory_space<hbm>>
      tpu.wait_dma2 semaphore(%arg8 : memref<!tpu.dma_semaphore, #tpu.memory_space<semaphore_mem>>) src(%dma_wait3A_105 : memref<32x512xf32, #tpu.memory_space<hbm>>) dst(%dma_wait3A_102 : memref<32x512xf32, #tpu.memory_space<vmem>>)
      %ge3A = arith.constant 2 : i32
      %ge3A_106 = arith.cmpi sge, %scan3A_84, %ge3A : i32
      %convert_element_type3A_107 = arith.extui %ge3A_106 : i1 to i32
      %cond3A_108 = arith.constant 0 : i32
      %cond3A_109 = arith.cmpi ne, %convert_element_type3A_107, %cond3A_108 : i32
      scf.if %cond3A_109 {
        %sub3A_126 = arith.constant 2 : i32
        %sub3A_127 = arith.subi %scan3A_84, %sub3A_126 : i32
        %dma_wait3A_128 = arith.constant 0 : i32
        %dma_wait3A_129 = arith.constant 0 : i32
        %dma_wait3A_130 = tpu.memref_slice %arg7[%rem3A_86, %dma_wait3A_128, %dma_wait3A_129] : memref<2x32x512xf32, #tpu.memory_space<vmem>> -> memref<1x32x512xf32, #tpu.memory_space<vmem>>
        %dma_wait3A_131 = tpu.memref_squeeze %dma_wait3A_130 : memref<1x32x512xf32, #tpu.memory_space<vmem>> -> memref<32x512xf32, #tpu.memory_space<vmem>>
        %dma_wait3A_132 = arith.constant 0 : i32
        %dma_wait3A_133 = tpu.memref_slice %arg4[%sub3A_127, %select_n3A, %mul3A_32, %dma_wait3A_132] : memref<32x16x64x512xf32, #tpu.memory_space<hbm>> -> memref<1x1x32x512xf32, #tpu.memory_space<hbm>>
        %dma_wait3A_134 = tpu.memref_squeeze %dma_wait3A_133 : memref<1x1x32x512xf32, #tpu.memory_space<hbm>> -> memref<32x512xf32, #tpu.memory_space<hbm>>
        %dma_wait3A_135 = arith.constant 0 : i32
        %dma_wait3A_136 = tpu.memref_slice %arg4[%sub3A_127, %select_n3A, %mul3A_32, %dma_wait3A_135] : memref<32x16x64x512xf32, #tpu.memory_space<hbm>> -> memref<1x1x32x512xf32, #tpu.memory_space<hbm>>
        %dma_wait3A_137 = tpu.memref_squeeze %dma_wait3A_136 : memref<1x1x32x512xf32, #tpu.memory_space<hbm>> -> memref<32x512xf32, #tpu.memory_space<hbm>>
        %dma_wait3A_138 = arith.constant 0 : i32
        %dma_wait3A_139 = arith.constant 0 : i32
        %dma_wait3A_140 = tpu.memref_slice %arg7[%rem3A_86, %dma_wait3A_138, %dma_wait3A_139] : memref<2x32x512xf32, #tpu.memory_space<vmem>> -> memref<1x32x512xf32, #tpu.memory_space<vmem>>
        %dma_wait3A_141 = tpu.memref_squeeze %dma_wait3A_140 : memref<1x32x512xf32, #tpu.memory_space<vmem>> -> memref<32x512xf32, #tpu.memory_space<vmem>>
        tpu.wait_dma2 semaphore(%arg9 : memref<!tpu.dma_semaphore, #tpu.memory_space<semaphore_mem>>) src(%dma_wait3A_141 : memref<32x512xf32, #tpu.memory_space<vmem>>) dst(%dma_wait3A_137 : memref<32x512xf32, #tpu.memory_space<hbm>>)
      } else {
      }
      %parallel_loop3A = arith.constant 0 : i32
      %parallel_loop3A_110 = arith.constant 32 : i32
      %parallel_loop3A_111 = arith.constant 1 : i32
      scf.for %parallel_loop3A_126 = %parallel_loop3A to %parallel_loop3A_110 step %parallel_loop3A_111  : i32 {
        %parallel_loop3A_127 = arith.constant 16 : i32
        %parallel_loop3A_128 = arith.muli %parallel_loop3A_126, %parallel_loop3A_127 : i32
        %parallel_loop3A_129 = arith.index_cast %parallel_loop3A_128 : i32 to index
        %parallel_loop3A_130 = tpu.vector_load %arg5[%parallel_loop3A_129] {strides = array<i32>} : memref<512xi32, #tpu.memory_space<vmem>>, vector<16xi32>,
        %parallel_loop3A_131 = arith.constant 0 : i32
        %parallel_loop3A_132 = vector.broadcast %parallel_loop3A_131 : i32 to vector<16xi32>
        %parallel_loop3A_133 = arith.constant 0 : i32
        %parallel_loop3A_134 = arith.constant 0 : i32
        %parallel_loop3A_135 = tpu.memref_slice %arg6[%rem3A_86, %parallel_loop3A_133, %parallel_loop3A_134] : memref<2x32x512xf32, #tpu.memory_space<vmem>> -> memref<1x32x512xf32, #tpu.memory_space<vmem>>
        %parallel_loop3A_136 = tpu.memref_squeeze %parallel_loop3A_135 : memref<1x32x512xf32, #tpu.memory_space<vmem>> -> memref<32x512xf32, #tpu.memory_space<vmem>>
        %parallel_loop3A_137 = tpu.vector_load_idx %parallel_loop3A_136[%parallel_loop3A_132, %parallel_loop3A_130] : memref<32x512xf32, #tpu.memory_space<vmem>>[vector<16xi32>, vector<16xi32>], vector<16xf32>,
        %parallel_loop3A_138 = arith.constant 1 : i32
        %parallel_loop3A_139 = vector.broadcast %parallel_loop3A_138 : i32 to vector<16xi32>
        %parallel_loop3A_140 = arith.constant 0 : i32
        %parallel_loop3A_141 = arith.constant 0 : i32
        %parallel_loop3A_142 = tpu.memref_slice %arg6[%rem3A_86, %parallel_loop3A_140, %parallel_loop3A_141] : memref<2x32x512xf32, #tpu.memory_space<vmem>> -> memref<1x32x512xf32, #tpu.memory_space<vmem>>
        %parallel_loop3A_143 = tpu.memref_squeeze %parallel_loop3A_142 : memref<1x32x512xf32, #tpu.memory_space<vmem>> -> memref<32x512xf32, #tpu.memory_space<vmem>>
        %parallel_loop3A_144 = tpu.vector_load_idx %parallel_loop3A_143[%parallel_loop3A_139, %parallel_loop3A_130] : memref<32x512xf32, #tpu.memory_space<vmem>>[vector<16xi32>, vector<16xi32>], vector<16xf32>,
        %parallel_loop3A_145 = arith.constant 2 : i32
        %parallel_loop3A_146 = vector.broadcast %parallel_loop3A_145 : i32 to vector<16xi32>
        %parallel_loop3A_147 = arith.constant 0 : i32
        %parallel_loop3A_148 = arith.constant 0 : i32
        %parallel_loop3A_149 = tpu.memref_slice %arg6[%rem3A_86, %parallel_loop3A_147, %parallel_loop3A_148] : memref<2x32x512xf32, #tpu.memory_space<vmem>> -> memref<1x32x512xf32, #tpu.memory_space<vmem>>
        %parallel_loop3A_150 = tpu.memref_squeeze %parallel_loop3A_149 : memref<1x32x512xf32, #tpu.memory_space<vmem>> -> memref<32x512xf32, #tpu.memory_space<vmem>>
        %parallel_loop3A_151 = tpu.vector_load_idx %parallel_loop3A_150[%parallel_loop3A_146, %parallel_loop3A_130] : memref<32x512xf32, #tpu.memory_space<vmem>>[vector<16xi32>, vector<16xi32>], vector<16xf32>,
        %parallel_loop3A_152 = arith.constant 3 : i32
        %parallel_loop3A_153 = vector.broadcast %parallel_loop3A_152 : i32 to vector<16xi32>
        %parallel_loop3A_154 = arith.constant 0 : i32
        %parallel_loop3A_155 = arith.constant 0 : i32
        %parallel_loop3A_156 = tpu.memref_slice %arg6[%rem3A_86, %parallel_loop3A_154, %parallel_loop3A_155] : memref<2x32x512xf32, #tpu.memory_space<vmem>> -> memref<1x32x512xf32, #tpu.memory_space<vmem>>
        %parallel_loop3A_157 = tpu.memref_squeeze %parallel_loop3A_156 : memref<1x32x512xf32, #tpu.memory_space<vmem>> -> memref<32x512xf32, #tpu.memory_space<vmem>>
        %parallel_loop3A_158 = tpu.vector_load_idx %parallel_loop3A_157[%parallel_loop3A_153, %parallel_loop3A_130] : memref<32x512xf32, #tpu.memory_space<vmem>>[vector<16xi32>, vector<16xi32>], vector<16xf32>,
        %parallel_loop3A_159 = arith.constant 4 : i32
        %parallel_loop3A_160 = vector.broadcast %parallel_loop3A_159 : i32 to vector<16xi32>
        %parallel_loop3A_161 = arith.constant 0 : i32
        %parallel_loop3A_162 = arith.constant 0 : i32
        %parallel_loop3A_163 = tpu.memref_slice %arg6[%rem3A_86, %parallel_loop3A_161, %parallel_loop3A_162] : memref<2x32x512xf32, #tpu.memory_space<vmem>> -> memref<1x32x512xf32, #tpu.memory_space<vmem>>
        %parallel_loop3A_164 = tpu.memref_squeeze %parallel_loop3A_163 : memref<1x32x512xf32, #tpu.memory_space<vmem>> -> memref<32x512xf32, #tpu.memory_space<vmem>>
        %parallel_loop3A_165 = tpu.vector_load_idx %parallel_loop3A_164[%parallel_loop3A_160, %parallel_loop3A_130] : memref<32x512xf32, #tpu.memory_space<vmem>>[vector<16xi32>, vector<16xi32>], vector<16xf32>,
        %parallel_loop3A_166 = arith.constant 5 : i32
        %parallel_loop3A_167 = vector.broadcast %parallel_loop3A_166 : i32 to vector<16xi32>
        %parallel_loop3A_168 = arith.constant 0 : i32
        %parallel_loop3A_169 = arith.constant 0 : i32
        %parallel_loop3A_170 = tpu.memref_slice %arg6[%rem3A_86, %parallel_loop3A_168, %parallel_loop3A_169] : memref<2x32x512xf32, #tpu.memory_space<vmem>> -> memref<1x32x512xf32, #tpu.memory_space<vmem>>
        %parallel_loop3A_171 = tpu.memref_squeeze %parallel_loop3A_170 : memref<1x32x512xf32, #tpu.memory_space<vmem>> -> memref<32x512xf32, #tpu.memory_space<vmem>>
        %parallel_loop3A_172 = tpu.vector_load_idx %parallel_loop3A_171[%parallel_loop3A_167, %parallel_loop3A_130] : memref<32x512xf32, #tpu.memory_space<vmem>>[vector<16xi32>, vector<16xi32>], vector<16xf32>,
        %parallel_loop3A_173 = arith.constant 6 : i32
        %parallel_loop3A_174 = vector.broadcast %parallel_loop3A_173 : i32 to vector<16xi32>
        %parallel_loop3A_175 = arith.constant 0 : i32
        %parallel_loop3A_176 = arith.constant 0 : i32
        %parallel_loop3A_177 = tpu.memref_slice %arg6[%rem3A_86, %parallel_loop3A_175, %parallel_loop3A_176] : memref<2x32x512xf32, #tpu.memory_space<vmem>> -> memref<1x32x512xf32, #tpu.memory_space<vmem>>
        %parallel_loop3A_178 = tpu.memref_squeeze %parallel_loop3A_177 : memref<1x32x512xf32, #tpu.memory_space<vmem>> -> memref<32x512xf32, #tpu.memory_space<vmem>>
        %parallel_loop3A_179 = tpu.vector_load_idx %parallel_loop3A_178[%parallel_loop3A_174, %parallel_loop3A_130] : memref<32x512xf32, #tpu.memory_space<vmem>>[vector<16xi32>, vector<16xi32>], vector<16xf32>,
        %parallel_loop3A_180 = arith.constant 7 : i32
        %parallel_loop3A_181 = vector.broadcast %parallel_loop3A_180 : i32 to vector<16xi32>
        %parallel_loop3A_182 = arith.constant 0 : i32
        %parallel_loop3A_183 = arith.constant 0 : i32
        %parallel_loop3A_184 = tpu.memref_slice %arg6[%rem3A_86, %parallel_loop3A_182, %parallel_loop3A_183] : memref<2x32x512xf32, #tpu.memory_space<vmem>> -> memref<1x32x512xf32, #tpu.memory_space<vmem>>
        %parallel_loop3A_185 = tpu.memref_squeeze %parallel_loop3A_184 : memref<1x32x512xf32, #tpu.memory_space<vmem>> -> memref<32x512xf32, #tpu.memory_space<vmem>>
        %parallel_loop3A_186 = tpu.vector_load_idx %parallel_loop3A_185[%parallel_loop3A_181, %parallel_loop3A_130] : memref<32x512xf32, #tpu.memory_space<vmem>>[vector<16xi32>, vector<16xi32>], vector<16xf32>,
        %parallel_loop3A_187 = arith.constant 8 : i32
        %parallel_loop3A_188 = vector.broadcast %parallel_loop3A_187 : i32 to vector<16xi32>
        %parallel_loop3A_189 = arith.constant 0 : i32
        %parallel_loop3A_190 = arith.constant 0 : i32
        %parallel_loop3A_191 = tpu.memref_slice %arg6[%rem3A_86, %parallel_loop3A_189, %parallel_loop3A_190] : memref<2x32x512xf32, #tpu.memory_space<vmem>> -> memref<1x32x512xf32, #tpu.memory_space<vmem>>
        %parallel_loop3A_192 = tpu.memref_squeeze %parallel_loop3A_191 : memref<1x32x512xf32, #tpu.memory_space<vmem>> -> memref<32x512xf32, #tpu.memory_space<vmem>>
        %parallel_loop3A_193 = tpu.vector_load_idx %parallel_loop3A_192[%parallel_loop3A_188, %parallel_loop3A_130] : memref<32x512xf32, #tpu.memory_space<vmem>>[vector<16xi32>, vector<16xi32>], vector<16xf32>,
        %parallel_loop3A_194 = arith.constant 9 : i32
        %parallel_loop3A_195 = vector.broadcast %parallel_loop3A_194 : i32 to vector<16xi32>
        %parallel_loop3A_196 = arith.constant 0 : i32
        %parallel_loop3A_197 = arith.constant 0 : i32
        %parallel_loop3A_198 = tpu.memref_slice %arg6[%rem3A_86, %parallel_loop3A_196, %parallel_loop3A_197] : memref<2x32x512xf32, #tpu.memory_space<vmem>> -> memref<1x32x512xf32, #tpu.memory_space<vmem>>
        %parallel_loop3A_199 = tpu.memref_squeeze %parallel_loop3A_198 : memref<1x32x512xf32, #tpu.memory_space<vmem>> -> memref<32x512xf32, #tpu.memory_space<vmem>>
        %parallel_loop3A_200 = tpu.vector_load_idx %parallel_loop3A_199[%parallel_loop3A_195, %parallel_loop3A_130] : memref<32x512xf32, #tpu.memory_space<vmem>>[vector<16xi32>, vector<16xi32>], vector<16xf32>,
        %parallel_loop3A_201 = arith.constant 10 : i32
        %parallel_loop3A_202 = vector.broadcast %parallel_loop3A_201 : i32 to vector<16xi32>
        %parallel_loop3A_203 = arith.constant 0 : i32
        %parallel_loop3A_204 = arith.constant 0 : i32
        %parallel_loop3A_205 = tpu.memref_slice %arg6[%rem3A_86, %parallel_loop3A_203, %parallel_loop3A_204] : memref<2x32x512xf32, #tpu.memory_space<vmem>> -> memref<1x32x512xf32, #tpu.memory_space<vmem>>
        %parallel_loop3A_206 = tpu.memref_squeeze %parallel_loop3A_205 : memref<1x32x512xf32, #tpu.memory_space<vmem>> -> memref<32x512xf32, #tpu.memory_space<vmem>>
        %parallel_loop3A_207 = tpu.vector_load_idx %parallel_loop3A_206[%parallel_loop3A_202, %parallel_loop3A_130] : memref<32x512xf32, #tpu.memory_space<vmem>>[vector<16xi32>, vector<16xi32>], vector<16xf32>,
        %parallel_loop3A_208 = arith.constant 11 : i32
        %parallel_loop3A_209 = vector.broadcast %parallel_loop3A_208 : i32 to vector<16xi32>
        %parallel_loop3A_210 = arith.constant 0 : i32
        %parallel_loop3A_211 = arith.constant 0 : i32
        %parallel_loop3A_212 = tpu.memref_slice %arg6[%rem3A_86, %parallel_loop3A_210, %parallel_loop3A_211] : memref<2x32x512xf32, #tpu.memory_space<vmem>> -> memref<1x32x512xf32, #tpu.memory_space<vmem>>
        %parallel_loop3A_213 = tpu.memref_squeeze %parallel_loop3A_212 : memref<1x32x512xf32, #tpu.memory_space<vmem>> -> memref<32x512xf32, #tpu.memory_space<vmem>>
        %parallel_loop3A_214 = tpu.vector_load_idx %parallel_loop3A_213[%parallel_loop3A_209, %parallel_loop3A_130] : memref<32x512xf32, #tpu.memory_space<vmem>>[vector<16xi32>, vector<16xi32>], vector<16xf32>,
        %parallel_loop3A_215 = arith.constant 12 : i32
        %parallel_loop3A_216 = vector.broadcast %parallel_loop3A_215 : i32 to vector<16xi32>
        %parallel_loop3A_217 = arith.constant 0 : i32
        %parallel_loop3A_218 = arith.constant 0 : i32
        %parallel_loop3A_219 = tpu.memref_slice %arg6[%rem3A_86, %parallel_loop3A_217, %parallel_loop3A_218] : memref<2x32x512xf32, #tpu.memory_space<vmem>> -> memref<1x32x512xf32, #tpu.memory_space<vmem>>
        %parallel_loop3A_220 = tpu.memref_squeeze %parallel_loop3A_219 : memref<1x32x512xf32, #tpu.memory_space<vmem>> -> memref<32x512xf32, #tpu.memory_space<vmem>>
        %parallel_loop3A_221 = tpu.vector_load_idx %parallel_loop3A_220[%parallel_loop3A_216, %parallel_loop3A_130] : memref<32x512xf32, #tpu.memory_space<vmem>>[vector<16xi32>, vector<16xi32>], vector<16xf32>,
        %parallel_loop3A_222 = arith.constant 13 : i32
        %parallel_loop3A_223 = vector.broadcast %parallel_loop3A_222 : i32 to vector<16xi32>
        %parallel_loop3A_224 = arith.constant 0 : i32
        %parallel_loop3A_225 = arith.constant 0 : i32
        %parallel_loop3A_226 = tpu.memref_slice %arg6[%rem3A_86, %parallel_loop3A_224, %parallel_loop3A_225] : memref<2x32x512xf32, #tpu.memory_space<vmem>> -> memref<1x32x512xf32, #tpu.memory_space<vmem>>
        %parallel_loop3A_227 = tpu.memref_squeeze %parallel_loop3A_226 : memref<1x32x512xf32, #tpu.memory_space<vmem>> -> memref<32x512xf32, #tpu.memory_space<vmem>>
        %parallel_loop3A_228 = tpu.vector_load_idx %parallel_loop3A_227[%parallel_loop3A_223, %parallel_loop3A_130] : memref<32x512xf32, #tpu.memory_space<vmem>>[vector<16xi32>, vector<16xi32>], vector<16xf32>,
        %parallel_loop3A_229 = arith.constant 14 : i32
        %parallel_loop3A_230 = vector.broadcast %parallel_loop3A_229 : i32 to vector<16xi32>
        %parallel_loop3A_231 = arith.constant 0 : i32
        %parallel_loop3A_232 = arith.constant 0 : i32
        %parallel_loop3A_233 = tpu.memref_slice %arg6[%rem3A_86, %parallel_loop3A_231, %parallel_loop3A_232] : memref<2x32x512xf32, #tpu.memory_space<vmem>> -> memref<1x32x512xf32, #tpu.memory_space<vmem>>
        %parallel_loop3A_234 = tpu.memref_squeeze %parallel_loop3A_233 : memref<1x32x512xf32, #tpu.memory_space<vmem>> -> memref<32x512xf32, #tpu.memory_space<vmem>>
        %parallel_loop3A_235 = tpu.vector_load_idx %parallel_loop3A_234[%parallel_loop3A_230, %parallel_loop3A_130] : memref<32x512xf32, #tpu.memory_space<vmem>>[vector<16xi32>, vector<16xi32>], vector<16xf32>,
        %parallel_loop3A_236 = arith.constant 15 : i32
        %parallel_loop3A_237 = vector.broadcast %parallel_loop3A_236 : i32 to vector<16xi32>
        %parallel_loop3A_238 = arith.constant 0 : i32
        %parallel_loop3A_239 = arith.constant 0 : i32
        %parallel_loop3A_240 = tpu.memref_slice %arg6[%rem3A_86, %parallel_loop3A_238, %parallel_loop3A_239] : memref<2x32x512xf32, #tpu.memory_space<vmem>> -> memref<1x32x512xf32, #tpu.memory_space<vmem>>
        %parallel_loop3A_241 = tpu.memref_squeeze %parallel_loop3A_240 : memref<1x32x512xf32, #tpu.memory_space<vmem>> -> memref<32x512xf32, #tpu.memory_space<vmem>>
        %parallel_loop3A_242 = tpu.vector_load_idx %parallel_loop3A_241[%parallel_loop3A_237, %parallel_loop3A_130] : memref<32x512xf32, #tpu.memory_space<vmem>>[vector<16xi32>, vector<16xi32>], vector<16xf32>,
        %parallel_loop3A_243 = arith.constant 16 : i32
        %parallel_loop3A_244 = vector.broadcast %parallel_loop3A_243 : i32 to vector<16xi32>
        %parallel_loop3A_245 = arith.constant 0 : i32
        %parallel_loop3A_246 = arith.constant 0 : i32
        %parallel_loop3A_247 = tpu.memref_slice %arg6[%rem3A_86, %parallel_loop3A_245, %parallel_loop3A_246] : memref<2x32x512xf32, #tpu.memory_space<vmem>> -> memref<1x32x512xf32, #tpu.memory_space<vmem>>
        %parallel_loop3A_248 = tpu.memref_squeeze %parallel_loop3A_247 : memref<1x32x512xf32, #tpu.memory_space<vmem>> -> memref<32x512xf32, #tpu.memory_space<vmem>>
        %parallel_loop3A_249 = tpu.vector_load_idx %parallel_loop3A_248[%parallel_loop3A_244, %parallel_loop3A_130] : memref<32x512xf32, #tpu.memory_space<vmem>>[vector<16xi32>, vector<16xi32>], vector<16xf32>,
        %parallel_loop3A_250 = arith.constant 17 : i32
        %parallel_loop3A_251 = vector.broadcast %parallel_loop3A_250 : i32 to vector<16xi32>
        %parallel_loop3A_252 = arith.constant 0 : i32
        %parallel_loop3A_253 = arith.constant 0 : i32
        %parallel_loop3A_254 = tpu.memref_slice %arg6[%rem3A_86, %parallel_loop3A_252, %parallel_loop3A_253] : memref<2x32x512xf32, #tpu.memory_space<vmem>> -> memref<1x32x512xf32, #tpu.memory_space<vmem>>
        %parallel_loop3A_255 = tpu.memref_squeeze %parallel_loop3A_254 : memref<1x32x512xf32, #tpu.memory_space<vmem>> -> memref<32x512xf32, #tpu.memory_space<vmem>>
        %parallel_loop3A_256 = tpu.vector_load_idx %parallel_loop3A_255[%parallel_loop3A_251, %parallel_loop3A_130] : memref<32x512xf32, #tpu.memory_space<vmem>>[vector<16xi32>, vector<16xi32>], vector<16xf32>,
        %parallel_loop3A_257 = arith.constant 18 : i32
        %parallel_loop3A_258 = vector.broadcast %parallel_loop3A_257 : i32 to vector<16xi32>
        %parallel_loop3A_259 = arith.constant 0 : i32
        %parallel_loop3A_260 = arith.constant 0 : i32
        %parallel_loop3A_261 = tpu.memref_slice %arg6[%rem3A_86, %parallel_loop3A_259, %parallel_loop3A_260] : memref<2x32x512xf32, #tpu.memory_space<vmem>> -> memref<1x32x512xf32, #tpu.memory_space<vmem>>
        %parallel_loop3A_262 = tpu.memref_squeeze %parallel_loop3A_261 : memref<1x32x512xf32, #tpu.memory_space<vmem>> -> memref<32x512xf32, #tpu.memory_space<vmem>>
        %parallel_loop3A_263 = tpu.vector_load_idx %parallel_loop3A_262[%parallel_loop3A_258, %parallel_loop3A_130] : memref<32x512xf32, #tpu.memory_space<vmem>>[vector<16xi32>, vector<16xi32>], vector<16xf32>,
        %parallel_loop3A_264 = arith.constant 19 : i32
        %parallel_loop3A_265 = vector.broadcast %parallel_loop3A_264 : i32 to vector<16xi32>
        %parallel_loop3A_266 = arith.constant 0 : i32
        %parallel_loop3A_267 = arith.constant 0 : i32
        %parallel_loop3A_268 = tpu.memref_slice %arg6[%rem3A_86, %parallel_loop3A_266, %parallel_loop3A_267] : memref<2x32x512xf32, #tpu.memory_space<vmem>> -> memref<1x32x512xf32, #tpu.memory_space<vmem>>
        %parallel_loop3A_269 = tpu.memref_squeeze %parallel_loop3A_268 : memref<1x32x512xf32, #tpu.memory_space<vmem>> -> memref<32x512xf32, #tpu.memory_space<vmem>>
        %parallel_loop3A_270 = tpu.vector_load_idx %parallel_loop3A_269[%parallel_loop3A_265, %parallel_loop3A_130] : memref<32x512xf32, #tpu.memory_space<vmem>>[vector<16xi32>, vector<16xi32>], vector<16xf32>,
        %parallel_loop3A_271 = arith.constant 20 : i32
        %parallel_loop3A_272 = vector.broadcast %parallel_loop3A_271 : i32 to vector<16xi32>
        %parallel_loop3A_273 = arith.constant 0 : i32
        %parallel_loop3A_274 = arith.constant 0 : i32
        %parallel_loop3A_275 = tpu.memref_slice %arg6[%rem3A_86, %parallel_loop3A_273, %parallel_loop3A_274] : memref<2x32x512xf32, #tpu.memory_space<vmem>> -> memref<1x32x512xf32, #tpu.memory_space<vmem>>
        %parallel_loop3A_276 = tpu.memref_squeeze %parallel_loop3A_275 : memref<1x32x512xf32, #tpu.memory_space<vmem>> -> memref<32x512xf32, #tpu.memory_space<vmem>>
        %parallel_loop3A_277 = tpu.vector_load_idx %parallel_loop3A_276[%parallel_loop3A_272, %parallel_loop3A_130] : memref<32x512xf32, #tpu.memory_space<vmem>>[vector<16xi32>, vector<16xi32>], vector<16xf32>,
        %parallel_loop3A_278 = arith.constant 21 : i32
        %parallel_loop3A_279 = vector.broadcast %parallel_loop3A_278 : i32 to vector<16xi32>
        %parallel_loop3A_280 = arith.constant 0 : i32
        %parallel_loop3A_281 = arith.constant 0 : i32
        %parallel_loop3A_282 = tpu.memref_slice %arg6[%rem3A_86, %parallel_loop3A_280, %parallel_loop3A_281] : memref<2x32x512xf32, #tpu.memory_space<vmem>> -> memref<1x32x512xf32, #tpu.memory_space<vmem>>
        %parallel_loop3A_283 = tpu.memref_squeeze %parallel_loop3A_282 : memref<1x32x512xf32, #tpu.memory_space<vmem>> -> memref<32x512xf32, #tpu.memory_space<vmem>>
        %parallel_loop3A_284 = tpu.vector_load_idx %parallel_loop3A_283[%parallel_loop3A_279, %parallel_loop3A_130] : memref<32x512xf32, #tpu.memory_space<vmem>>[vector<16xi32>, vector<16xi32>], vector<16xf32>,
        %parallel_loop3A_285 = arith.constant 22 : i32
        %parallel_loop3A_286 = vector.broadcast %parallel_loop3A_285 : i32 to vector<16xi32>
        %parallel_loop3A_287 = arith.constant 0 : i32
        %parallel_loop3A_288 = arith.constant 0 : i32
        %parallel_loop3A_289 = tpu.memref_slice %arg6[%rem3A_86, %parallel_loop3A_287, %parallel_loop3A_288] : memref<2x32x512xf32, #tpu.memory_space<vmem>> -> memref<1x32x512xf32, #tpu.memory_space<vmem>>
        %parallel_loop3A_290 = tpu.memref_squeeze %parallel_loop3A_289 : memref<1x32x512xf32, #tpu.memory_space<vmem>> -> memref<32x512xf32, #tpu.memory_space<vmem>>
        %parallel_loop3A_291 = tpu.vector_load_idx %parallel_loop3A_290[%parallel_loop3A_286, %parallel_loop3A_130] : memref<32x512xf32, #tpu.memory_space<vmem>>[vector<16xi32>, vector<16xi32>], vector<16xf32>,
        %parallel_loop3A_292 = arith.constant 23 : i32
        %parallel_loop3A_293 = vector.broadcast %parallel_loop3A_292 : i32 to vector<16xi32>
        %parallel_loop3A_294 = arith.constant 0 : i32
        %parallel_loop3A_295 = arith.constant 0 : i32
        %parallel_loop3A_296 = tpu.memref_slice %arg6[%rem3A_86, %parallel_loop3A_294, %parallel_loop3A_295] : memref<2x32x512xf32, #tpu.memory_space<vmem>> -> memref<1x32x512xf32, #tpu.memory_space<vmem>>
        %parallel_loop3A_297 = tpu.memref_squeeze %parallel_loop3A_296 : memref<1x32x512xf32, #tpu.memory_space<vmem>> -> memref<32x512xf32, #tpu.memory_space<vmem>>
        %parallel_loop3A_298 = tpu.vector_load_idx %parallel_loop3A_297[%parallel_loop3A_293, %parallel_loop3A_130] : memref<32x512xf32, #tpu.memory_space<vmem>>[vector<16xi32>, vector<16xi32>], vector<16xf32>,
        %parallel_loop3A_299 = arith.constant 24 : i32
        %parallel_loop3A_300 = vector.broadcast %parallel_loop3A_299 : i32 to vector<16xi32>
        %parallel_loop3A_301 = arith.constant 0 : i32
        %parallel_loop3A_302 = arith.constant 0 : i32
        %parallel_loop3A_303 = tpu.memref_slice %arg6[%rem3A_86, %parallel_loop3A_301, %parallel_loop3A_302] : memref<2x32x512xf32, #tpu.memory_space<vmem>> -> memref<1x32x512xf32, #tpu.memory_space<vmem>>
        %parallel_loop3A_304 = tpu.memref_squeeze %parallel_loop3A_303 : memref<1x32x512xf32, #tpu.memory_space<vmem>> -> memref<32x512xf32, #tpu.memory_space<vmem>>
        %parallel_loop3A_305 = tpu.vector_load_idx %parallel_loop3A_304[%parallel_loop3A_300, %parallel_loop3A_130] : memref<32x512xf32, #tpu.memory_space<vmem>>[vector<16xi32>, vector<16xi32>], vector<16xf32>,
        %parallel_loop3A_306 = arith.constant 25 : i32
        %parallel_loop3A_307 = vector.broadcast %parallel_loop3A_306 : i32 to vector<16xi32>
        %parallel_loop3A_308 = arith.constant 0 : i32
        %parallel_loop3A_309 = arith.constant 0 : i32
        %parallel_loop3A_310 = tpu.memref_slice %arg6[%rem3A_86, %parallel_loop3A_308, %parallel_loop3A_309] : memref<2x32x512xf32, #tpu.memory_space<vmem>> -> memref<1x32x512xf32, #tpu.memory_space<vmem>>
        %parallel_loop3A_311 = tpu.memref_squeeze %parallel_loop3A_310 : memref<1x32x512xf32, #tpu.memory_space<vmem>> -> memref<32x512xf32, #tpu.memory_space<vmem>>
        %parallel_loop3A_312 = tpu.vector_load_idx %parallel_loop3A_311[%parallel_loop3A_307, %parallel_loop3A_130] : memref<32x512xf32, #tpu.memory_space<vmem>>[vector<16xi32>, vector<16xi32>], vector<16xf32>,
        %parallel_loop3A_313 = arith.constant 26 : i32
        %parallel_loop3A_314 = vector.broadcast %parallel_loop3A_313 : i32 to vector<16xi32>
        %parallel_loop3A_315 = arith.constant 0 : i32
        %parallel_loop3A_316 = arith.constant 0 : i32
        %parallel_loop3A_317 = tpu.memref_slice %arg6[%rem3A_86, %parallel_loop3A_315, %parallel_loop3A_316] : memref<2x32x512xf32, #tpu.memory_space<vmem>> -> memref<1x32x512xf32, #tpu.memory_space<vmem>>
        %parallel_loop3A_318 = tpu.memref_squeeze %parallel_loop3A_317 : memref<1x32x512xf32, #tpu.memory_space<vmem>> -> memref<32x512xf32, #tpu.memory_space<vmem>>
        %parallel_loop3A_319 = tpu.vector_load_idx %parallel_loop3A_318[%parallel_loop3A_314, %parallel_loop3A_130] : memref<32x512xf32, #tpu.memory_space<vmem>>[vector<16xi32>, vector<16xi32>], vector<16xf32>,
        %parallel_loop3A_320 = arith.constant 27 : i32
        %parallel_loop3A_321 = vector.broadcast %parallel_loop3A_320 : i32 to vector<16xi32>
        %parallel_loop3A_322 = arith.constant 0 : i32
        %parallel_loop3A_323 = arith.constant 0 : i32
        %parallel_loop3A_324 = tpu.memref_slice %arg6[%rem3A_86, %parallel_loop3A_322, %parallel_loop3A_323] : memref<2x32x512xf32, #tpu.memory_space<vmem>> -> memref<1x32x512xf32, #tpu.memory_space<vmem>>
        %parallel_loop3A_325 = tpu.memref_squeeze %parallel_loop3A_324 : memref<1x32x512xf32, #tpu.memory_space<vmem>> -> memref<32x512xf32, #tpu.memory_space<vmem>>
        %parallel_loop3A_326 = tpu.vector_load_idx %parallel_loop3A_325[%parallel_loop3A_321, %parallel_loop3A_130] : memref<32x512xf32, #tpu.memory_space<vmem>>[vector<16xi32>, vector<16xi32>], vector<16xf32>,
        %parallel_loop3A_327 = arith.constant 28 : i32
        %parallel_loop3A_328 = vector.broadcast %parallel_loop3A_327 : i32 to vector<16xi32>
        %parallel_loop3A_329 = arith.constant 0 : i32
        %parallel_loop3A_330 = arith.constant 0 : i32
        %parallel_loop3A_331 = tpu.memref_slice %arg6[%rem3A_86, %parallel_loop3A_329, %parallel_loop3A_330] : memref<2x32x512xf32, #tpu.memory_space<vmem>> -> memref<1x32x512xf32, #tpu.memory_space<vmem>>
        %parallel_loop3A_332 = tpu.memref_squeeze %parallel_loop3A_331 : memref<1x32x512xf32, #tpu.memory_space<vmem>> -> memref<32x512xf32, #tpu.memory_space<vmem>>
        %parallel_loop3A_333 = tpu.vector_load_idx %parallel_loop3A_332[%parallel_loop3A_328, %parallel_loop3A_130] : memref<32x512xf32, #tpu.memory_space<vmem>>[vector<16xi32>, vector<16xi32>], vector<16xf32>,
        %parallel_loop3A_334 = arith.constant 29 : i32
        %parallel_loop3A_335 = vector.broadcast %parallel_loop3A_334 : i32 to vector<16xi32>
        %parallel_loop3A_336 = arith.constant 0 : i32
        %parallel_loop3A_337 = arith.constant 0 : i32
        %parallel_loop3A_338 = tpu.memref_slice %arg6[%rem3A_86, %parallel_loop3A_336, %parallel_loop3A_337] : memref<2x32x512xf32, #tpu.memory_space<vmem>> -> memref<1x32x512xf32, #tpu.memory_space<vmem>>
        %parallel_loop3A_339 = tpu.memref_squeeze %parallel_loop3A_338 : memref<1x32x512xf32, #tpu.memory_space<vmem>> -> memref<32x512xf32, #tpu.memory_space<vmem>>
        %parallel_loop3A_340 = tpu.vector_load_idx %parallel_loop3A_339[%parallel_loop3A_335, %parallel_loop3A_130] : memref<32x512xf32, #tpu.memory_space<vmem>>[vector<16xi32>, vector<16xi32>], vector<16xf32>,
        %parallel_loop3A_341 = arith.constant 30 : i32
        %parallel_loop3A_342 = vector.broadcast %parallel_loop3A_341 : i32 to vector<16xi32>
        %parallel_loop3A_343 = arith.constant 0 : i32
        %parallel_loop3A_344 = arith.constant 0 : i32
        %parallel_loop3A_345 = tpu.memref_slice %arg6[%rem3A_86, %parallel_loop3A_343, %parallel_loop3A_344] : memref<2x32x512xf32, #tpu.memory_space<vmem>> -> memref<1x32x512xf32, #tpu.memory_space<vmem>>
        %parallel_loop3A_346 = tpu.memref_squeeze %parallel_loop3A_345 : memref<1x32x512xf32, #tpu.memory_space<vmem>> -> memref<32x512xf32, #tpu.memory_space<vmem>>
        %parallel_loop3A_347 = tpu.vector_load_idx %parallel_loop3A_346[%parallel_loop3A_342, %parallel_loop3A_130] : memref<32x512xf32, #tpu.memory_space<vmem>>[vector<16xi32>, vector<16xi32>], vector<16xf32>,
        %parallel_loop3A_348 = arith.constant 31 : i32
        %parallel_loop3A_349 = vector.broadcast %parallel_loop3A_348 : i32 to vector<16xi32>
        %parallel_loop3A_350 = arith.constant 0 : i32
        %parallel_loop3A_351 = arith.constant 0 : i32
        %parallel_loop3A_352 = tpu.memref_slice %arg6[%rem3A_86, %parallel_loop3A_350, %parallel_loop3A_351] : memref<2x32x512xf32, #tpu.memory_space<vmem>> -> memref<1x32x512xf32, #tpu.memory_space<vmem>>
        %parallel_loop3A_353 = tpu.memref_squeeze %parallel_loop3A_352 : memref<1x32x512xf32, #tpu.memory_space<vmem>> -> memref<32x512xf32, #tpu.memory_space<vmem>>
        %parallel_loop3A_354 = tpu.vector_load_idx %parallel_loop3A_353[%parallel_loop3A_349, %parallel_loop3A_130] : memref<32x512xf32, #tpu.memory_space<vmem>>[vector<16xi32>, vector<16xi32>], vector<16xf32>,
        %parallel_loop3A_355 = arith.constant 16 : i32
        %parallel_loop3A_356 = arith.muli %parallel_loop3A_126, %parallel_loop3A_355 : i32
        %parallel_loop3A_357 = arith.constant 0 : i32
        %parallel_loop3A_358 = arith.constant 0 : i32
        %parallel_loop3A_359 = arith.constant 0 : i32
        %parallel_loop3A_360 = tpu.memref_slice %arg7[%rem3A_86, %parallel_loop3A_358, %parallel_loop3A_359] : memref<2x32x512xf32, #tpu.memory_space<vmem>> -> memref<1x32x512xf32, #tpu.memory_space<vmem>>
        %parallel_loop3A_361 = tpu.memref_squeeze %parallel_loop3A_360 : memref<1x32x512xf32, #tpu.memory_space<vmem>> -> memref<32x512xf32, #tpu.memory_space<vmem>>
        %parallel_loop3A_362 = arith.index_cast %parallel_loop3A_357 : i32 to index
        %parallel_loop3A_363 = arith.index_cast %parallel_loop3A_356 : i32 to index
        %parallel_loop3A_364 = tpu.vector_load %parallel_loop3A_361[%parallel_loop3A_362, %parallel_loop3A_363] {strides = array<i32>} : memref<32x512xf32, #tpu.memory_space<vmem>>, vector<16xf32>,
        tpu.vector_store %parallel_loop3A_361[%parallel_loop3A_362, %parallel_loop3A_363], %parallel_loop3A_137 {strides = array<i32>} : memref<32x512xf32, #tpu.memory_space<vmem>>, vector<16xf32>,
        %parallel_loop3A_365 = arith.constant 16 : i32
        %parallel_loop3A_366 = arith.muli %parallel_loop3A_126, %parallel_loop3A_365 : i32
        %parallel_loop3A_367 = arith.constant 1 : i32
        %parallel_loop3A_368 = arith.constant 0 : i32
        %parallel_loop3A_369 = arith.constant 0 : i32
        %parallel_loop3A_370 = tpu.memref_slice %arg7[%rem3A_86, %parallel_loop3A_368, %parallel_loop3A_369] : memref<2x32x512xf32, #tpu.memory_space<vmem>> -> memref<1x32x512xf32, #tpu.memory_space<vmem>>
        %parallel_loop3A_371 = tpu.memref_squeeze %parallel_loop3A_370 : memref<1x32x512xf32, #tpu.memory_space<vmem>> -> memref<32x512xf32, #tpu.memory_space<vmem>>
        %parallel_loop3A_372 = arith.index_cast %parallel_loop3A_367 : i32 to index
        %parallel_loop3A_373 = arith.index_cast %parallel_loop3A_366 : i32 to index
        %parallel_loop3A_374 = tpu.vector_load %parallel_loop3A_371[%parallel_loop3A_372, %parallel_loop3A_373] {strides = array<i32>} : memref<32x512xf32, #tpu.memory_space<vmem>>, vector<16xf32>,
        tpu.vector_store %parallel_loop3A_371[%parallel_loop3A_372, %parallel_loop3A_373], %parallel_loop3A_144 {strides = array<i32>} : memref<32x512xf32, #tpu.memory_space<vmem>>, vector<16xf32>,
        %parallel_loop3A_375 = arith.constant 16 : i32
        %parallel_loop3A_376 = arith.muli %parallel_loop3A_126, %parallel_loop3A_375 : i32
        %parallel_loop3A_377 = arith.constant 2 : i32
        %parallel_loop3A_378 = arith.constant 0 : i32
        %parallel_loop3A_379 = arith.constant 0 : i32
        %parallel_loop3A_380 = tpu.memref_slice %arg7[%rem3A_86, %parallel_loop3A_378, %parallel_loop3A_379] : memref<2x32x512xf32, #tpu.memory_space<vmem>> -> memref<1x32x512xf32, #tpu.memory_space<vmem>>
        %parallel_loop3A_381 = tpu.memref_squeeze %parallel_loop3A_380 : memref<1x32x512xf32, #tpu.memory_space<vmem>> -> memref<32x512xf32, #tpu.memory_space<vmem>>
        %parallel_loop3A_382 = arith.index_cast %parallel_loop3A_377 : i32 to index
        %parallel_loop3A_383 = arith.index_cast %parallel_loop3A_376 : i32 to index
        %parallel_loop3A_384 = tpu.vector_load %parallel_loop3A_381[%parallel_loop3A_382, %parallel_loop3A_383] {strides = array<i32>} : memref<32x512xf32, #tpu.memory_space<vmem>>, vector<16xf32>,
        tpu.vector_store %parallel_loop3A_381[%parallel_loop3A_382, %parallel_loop3A_383], %parallel_loop3A_151 {strides = array<i32>} : memref<32x512xf32, #tpu.memory_space<vmem>>, vector<16xf32>,
        %parallel_loop3A_385 = arith.constant 16 : i32
        %parallel_loop3A_386 = arith.muli %parallel_loop3A_126, %parallel_loop3A_385 : i32
        %parallel_loop3A_387 = arith.constant 3 : i32
        %parallel_loop3A_388 = arith.constant 0 : i32
        %parallel_loop3A_389 = arith.constant 0 : i32
        %parallel_loop3A_390 = tpu.memref_slice %arg7[%rem3A_86, %parallel_loop3A_388, %parallel_loop3A_389] : memref<2x32x512xf32, #tpu.memory_space<vmem>> -> memref<1x32x512xf32, #tpu.memory_space<vmem>>
        %parallel_loop3A_391 = tpu.memref_squeeze %parallel_loop3A_390 : memref<1x32x512xf32, #tpu.memory_space<vmem>> -> memref<32x512xf32, #tpu.memory_space<vmem>>
        %parallel_loop3A_392 = arith.index_cast %parallel_loop3A_387 : i32 to index
        %parallel_loop3A_393 = arith.index_cast %parallel_loop3A_386 : i32 to index
        %parallel_loop3A_394 = tpu.vector_load %parallel_loop3A_391[%parallel_loop3A_392, %parallel_loop3A_393] {strides = array<i32>} : memref<32x512xf32, #tpu.memory_space<vmem>>, vector<16xf32>,
        tpu.vector_store %parallel_loop3A_391[%parallel_loop3A_392, %parallel_loop3A_393], %parallel_loop3A_158 {strides = array<i32>} : memref<32x512xf32, #tpu.memory_space<vmem>>, vector<16xf32>,
        %parallel_loop3A_395 = arith.constant 16 : i32
        %parallel_loop3A_396 = arith.muli %parallel_loop3A_126, %parallel_loop3A_395 : i32
        %parallel_loop3A_397 = arith.constant 4 : i32
        %parallel_loop3A_398 = arith.constant 0 : i32
        %parallel_loop3A_399 = arith.constant 0 : i32
        %parallel_loop3A_400 = tpu.memref_slice %arg7[%rem3A_86, %parallel_loop3A_398, %parallel_loop3A_399] : memref<2x32x512xf32, #tpu.memory_space<vmem>> -> memref<1x32x512xf32, #tpu.memory_space<vmem>>
        %parallel_loop3A_401 = tpu.memref_squeeze %parallel_loop3A_400 : memref<1x32x512xf32, #tpu.memory_space<vmem>> -> memref<32x512xf32, #tpu.memory_space<vmem>>
        %parallel_loop3A_402 = arith.index_cast %parallel_loop3A_397 : i32 to index
        %parallel_loop3A_403 = arith.index_cast %parallel_loop3A_396 : i32 to index
        %parallel_loop3A_404 = tpu.vector_load %parallel_loop3A_401[%parallel_loop3A_402, %parallel_loop3A_403] {strides = array<i32>} : memref<32x512xf32, #tpu.memory_space<vmem>>, vector<16xf32>,
        tpu.vector_store %parallel_loop3A_401[%parallel_loop3A_402, %parallel_loop3A_403], %parallel_loop3A_165 {strides = array<i32>} : memref<32x512xf32, #tpu.memory_space<vmem>>, vector<16xf32>,
        %parallel_loop3A_405 = arith.constant 16 : i32
        %parallel_loop3A_406 = arith.muli %parallel_loop3A_126, %parallel_loop3A_405 : i32
        %parallel_loop3A_407 = arith.constant 5 : i32
        %parallel_loop3A_408 = arith.constant 0 : i32
        %parallel_loop3A_409 = arith.constant 0 : i32
        %parallel_loop3A_410 = tpu.memref_slice %arg7[%rem3A_86, %parallel_loop3A_408, %parallel_loop3A_409] : memref<2x32x512xf32, #tpu.memory_space<vmem>> -> memref<1x32x512xf32, #tpu.memory_space<vmem>>
        %parallel_loop3A_411 = tpu.memref_squeeze %parallel_loop3A_410 : memref<1x32x512xf32, #tpu.memory_space<vmem>> -> memref<32x512xf32, #tpu.memory_space<vmem>>
        %parallel_loop3A_412 = arith.index_cast %parallel_loop3A_407 : i32 to index
        %parallel_loop3A_413 = arith.index_cast %parallel_loop3A_406 : i32 to index
        %parallel_loop3A_414 = tpu.vector_load %parallel_loop3A_411[%parallel_loop3A_412, %parallel_loop3A_413] {strides = array<i32>} : memref<32x512xf32, #tpu.memory_space<vmem>>, vector<16xf32>,
        tpu.vector_store %parallel_loop3A_411[%parallel_loop3A_412, %parallel_loop3A_413], %parallel_loop3A_172 {strides = array<i32>} : memref<32x512xf32, #tpu.memory_space<vmem>>, vector<16xf32>,
        %parallel_loop3A_415 = arith.constant 16 : i32
        %parallel_loop3A_416 = arith.muli %parallel_loop3A_126, %parallel_loop3A_415 : i32
        %parallel_loop3A_417 = arith.constant 6 : i32
        %parallel_loop3A_418 = arith.constant 0 : i32
        %parallel_loop3A_419 = arith.constant 0 : i32
        %parallel_loop3A_420 = tpu.memref_slice %arg7[%rem3A_86, %parallel_loop3A_418, %parallel_loop3A_419] : memref<2x32x512xf32, #tpu.memory_space<vmem>> -> memref<1x32x512xf32, #tpu.memory_space<vmem>>
        %parallel_loop3A_421 = tpu.memref_squeeze %parallel_loop3A_420 : memref<1x32x512xf32, #tpu.memory_space<vmem>> -> memref<32x512xf32, #tpu.memory_space<vmem>>
        %parallel_loop3A_422 = arith.index_cast %parallel_loop3A_417 : i32 to index
        %parallel_loop3A_423 = arith.index_cast %parallel_loop3A_416 : i32 to index
        %parallel_loop3A_424 = tpu.vector_load %parallel_loop3A_421[%parallel_loop3A_422, %parallel_loop3A_423] {strides = array<i32>} : memref<32x512xf32, #tpu.memory_space<vmem>>, vector<16xf32>,
        tpu.vector_store %parallel_loop3A_421[%parallel_loop3A_422, %parallel_loop3A_423], %parallel_loop3A_179 {strides = array<i32>} : memref<32x512xf32, #tpu.memory_space<vmem>>, vector<16xf32>,
        %parallel_loop3A_425 = arith.constant 16 : i32
        %parallel_loop3A_426 = arith.muli %parallel_loop3A_126, %parallel_loop3A_425 : i32
        %parallel_loop3A_427 = arith.constant 7 : i32
        %parallel_loop3A_428 = arith.constant 0 : i32
        %parallel_loop3A_429 = arith.constant 0 : i32
        %parallel_loop3A_430 = tpu.memref_slice %arg7[%rem3A_86, %parallel_loop3A_428, %parallel_loop3A_429] : memref<2x32x512xf32, #tpu.memory_space<vmem>> -> memref<1x32x512xf32, #tpu.memory_space<vmem>>
        %parallel_loop3A_431 = tpu.memref_squeeze %parallel_loop3A_430 : memref<1x32x512xf32, #tpu.memory_space<vmem>> -> memref<32x512xf32, #tpu.memory_space<vmem>>
        %parallel_loop3A_432 = arith.index_cast %parallel_loop3A_427 : i32 to index
        %parallel_loop3A_433 = arith.index_cast %parallel_loop3A_426 : i32 to index
        %parallel_loop3A_434 = tpu.vector_load %parallel_loop3A_431[%parallel_loop3A_432, %parallel_loop3A_433] {strides = array<i32>} : memref<32x512xf32, #tpu.memory_space<vmem>>, vector<16xf32>,
        tpu.vector_store %parallel_loop3A_431[%parallel_loop3A_432, %parallel_loop3A_433], %parallel_loop3A_186 {strides = array<i32>} : memref<32x512xf32, #tpu.memory_space<vmem>>, vector<16xf32>,
        %parallel_loop3A_435 = arith.constant 16 : i32
        %parallel_loop3A_436 = arith.muli %parallel_loop3A_126, %parallel_loop3A_435 : i32
        %parallel_loop3A_437 = arith.constant 8 : i32
        %parallel_loop3A_438 = arith.constant 0 : i32
        %parallel_loop3A_439 = arith.constant 0 : i32
        %parallel_loop3A_440 = tpu.memref_slice %arg7[%rem3A_86, %parallel_loop3A_438, %parallel_loop3A_439] : memref<2x32x512xf32, #tpu.memory_space<vmem>> -> memref<1x32x512xf32, #tpu.memory_space<vmem>>
        %parallel_loop3A_441 = tpu.memref_squeeze %parallel_loop3A_440 : memref<1x32x512xf32, #tpu.memory_space<vmem>> -> memref<32x512xf32, #tpu.memory_space<vmem>>
        %parallel_loop3A_442 = arith.index_cast %parallel_loop3A_437 : i32 to index
        %parallel_loop3A_443 = arith.index_cast %parallel_loop3A_436 : i32 to index
        %parallel_loop3A_444 = tpu.vector_load %parallel_loop3A_441[%parallel_loop3A_442, %parallel_loop3A_443] {strides = array<i32>} : memref<32x512xf32, #tpu.memory_space<vmem>>, vector<16xf32>,
        tpu.vector_store %parallel_loop3A_441[%parallel_loop3A_442, %parallel_loop3A_443], %parallel_loop3A_193 {strides = array<i32>} : memref<32x512xf32, #tpu.memory_space<vmem>>, vector<16xf32>,
        %parallel_loop3A_445 = arith.constant 16 : i32
        %parallel_loop3A_446 = arith.muli %parallel_loop3A_126, %parallel_loop3A_445 : i32
        %parallel_loop3A_447 = arith.constant 9 : i32
        %parallel_loop3A_448 = arith.constant 0 : i32
        %parallel_loop3A_449 = arith.constant 0 : i32
        %parallel_loop3A_450 = tpu.memref_slice %arg7[%rem3A_86, %parallel_loop3A_448, %parallel_loop3A_449] : memref<2x32x512xf32, #tpu.memory_space<vmem>> -> memref<1x32x512xf32, #tpu.memory_space<vmem>>
        %parallel_loop3A_451 = tpu.memref_squeeze %parallel_loop3A_450 : memref<1x32x512xf32, #tpu.memory_space<vmem>> -> memref<32x512xf32, #tpu.memory_space<vmem>>
        %parallel_loop3A_452 = arith.index_cast %parallel_loop3A_447 : i32 to index
        %parallel_loop3A_453 = arith.index_cast %parallel_loop3A_446 : i32 to index
        %parallel_loop3A_454 = tpu.vector_load %parallel_loop3A_451[%parallel_loop3A_452, %parallel_loop3A_453] {strides = array<i32>} : memref<32x512xf32, #tpu.memory_space<vmem>>, vector<16xf32>,
        tpu.vector_store %parallel_loop3A_451[%parallel_loop3A_452, %parallel_loop3A_453], %parallel_loop3A_200 {strides = array<i32>} : memref<32x512xf32, #tpu.memory_space<vmem>>, vector<16xf32>,
        %parallel_loop3A_455 = arith.constant 16 : i32
        %parallel_loop3A_456 = arith.muli %parallel_loop3A_126, %parallel_loop3A_455 : i32
        %parallel_loop3A_457 = arith.constant 10 : i32
        %parallel_loop3A_458 = arith.constant 0 : i32
        %parallel_loop3A_459 = arith.constant 0 : i32
        %parallel_loop3A_460 = tpu.memref_slice %arg7[%rem3A_86, %parallel_loop3A_458, %parallel_loop3A_459] : memref<2x32x512xf32, #tpu.memory_space<vmem>> -> memref<1x32x512xf32, #tpu.memory_space<vmem>>
        %parallel_loop3A_461 = tpu.memref_squeeze %parallel_loop3A_460 : memref<1x32x512xf32, #tpu.memory_space<vmem>> -> memref<32x512xf32, #tpu.memory_space<vmem>>
        %parallel_loop3A_462 = arith.index_cast %parallel_loop3A_457 : i32 to index
        %parallel_loop3A_463 = arith.index_cast %parallel_loop3A_456 : i32 to index
        %parallel_loop3A_464 = tpu.vector_load %parallel_loop3A_461[%parallel_loop3A_462, %parallel_loop3A_463] {strides = array<i32>} : memref<32x512xf32, #tpu.memory_space<vmem>>, vector<16xf32>,
        tpu.vector_store %parallel_loop3A_461[%parallel_loop3A_462, %parallel_loop3A_463], %parallel_loop3A_207 {strides = array<i32>} : memref<32x512xf32, #tpu.memory_space<vmem>>, vector<16xf32>,
        %parallel_loop3A_465 = arith.constant 16 : i32
        %parallel_loop3A_466 = arith.muli %parallel_loop3A_126, %parallel_loop3A_465 : i32
        %parallel_loop3A_467 = arith.constant 11 : i32
        %parallel_loop3A_468 = arith.constant 0 : i32
        %parallel_loop3A_469 = arith.constant 0 : i32
        %parallel_loop3A_470 = tpu.memref_slice %arg7[%rem3A_86, %parallel_loop3A_468, %parallel_loop3A_469] : memref<2x32x512xf32, #tpu.memory_space<vmem>> -> memref<1x32x512xf32, #tpu.memory_space<vmem>>
        %parallel_loop3A_471 = tpu.memref_squeeze %parallel_loop3A_470 : memref<1x32x512xf32, #tpu.memory_space<vmem>> -> memref<32x512xf32, #tpu.memory_space<vmem>>
        %parallel_loop3A_472 = arith.index_cast %parallel_loop3A_467 : i32 to index
        %parallel_loop3A_473 = arith.index_cast %parallel_loop3A_466 : i32 to index
        %parallel_loop3A_474 = tpu.vector_load %parallel_loop3A_471[%parallel_loop3A_472, %parallel_loop3A_473] {strides = array<i32>} : memref<32x512xf32, #tpu.memory_space<vmem>>, vector<16xf32>,
        tpu.vector_store %parallel_loop3A_471[%parallel_loop3A_472, %parallel_loop3A_473], %parallel_loop3A_214 {strides = array<i32>} : memref<32x512xf32, #tpu.memory_space<vmem>>, vector<16xf32>,
        %parallel_loop3A_475 = arith.constant 16 : i32
        %parallel_loop3A_476 = arith.muli %parallel_loop3A_126, %parallel_loop3A_475 : i32
        %parallel_loop3A_477 = arith.constant 12 : i32
        %parallel_loop3A_478 = arith.constant 0 : i32
        %parallel_loop3A_479 = arith.constant 0 : i32
        %parallel_loop3A_480 = tpu.memref_slice %arg7[%rem3A_86, %parallel_loop3A_478, %parallel_loop3A_479] : memref<2x32x512xf32, #tpu.memory_space<vmem>> -> memref<1x32x512xf32, #tpu.memory_space<vmem>>
        %parallel_loop3A_481 = tpu.memref_squeeze %parallel_loop3A_480 : memref<1x32x512xf32, #tpu.memory_space<vmem>> -> memref<32x512xf32, #tpu.memory_space<vmem>>
        %parallel_loop3A_482 = arith.index_cast %parallel_loop3A_477 : i32 to index
        %parallel_loop3A_483 = arith.index_cast %parallel_loop3A_476 : i32 to index
        %parallel_loop3A_484 = tpu.vector_load %parallel_loop3A_481[%parallel_loop3A_482, %parallel_loop3A_483] {strides = array<i32>} : memref<32x512xf32, #tpu.memory_space<vmem>>, vector<16xf32>,
        tpu.vector_store %parallel_loop3A_481[%parallel_loop3A_482, %parallel_loop3A_483], %parallel_loop3A_221 {strides = array<i32>} : memref<32x512xf32, #tpu.memory_space<vmem>>, vector<16xf32>,
        %parallel_loop3A_485 = arith.constant 16 : i32
        %parallel_loop3A_486 = arith.muli %parallel_loop3A_126, %parallel_loop3A_485 : i32
        %parallel_loop3A_487 = arith.constant 13 : i32
        %parallel_loop3A_488 = arith.constant 0 : i32
        %parallel_loop3A_489 = arith.constant 0 : i32
        %parallel_loop3A_490 = tpu.memref_slice %arg7[%rem3A_86, %parallel_loop3A_488, %parallel_loop3A_489] : memref<2x32x512xf32, #tpu.memory_space<vmem>> -> memref<1x32x512xf32, #tpu.memory_space<vmem>>
        %parallel_loop3A_491 = tpu.memref_squeeze %parallel_loop3A_490 : memref<1x32x512xf32, #tpu.memory_space<vmem>> -> memref<32x512xf32, #tpu.memory_space<vmem>>
        %parallel_loop3A_492 = arith.index_cast %parallel_loop3A_487 : i32 to index
        %parallel_loop3A_493 = arith.index_cast %parallel_loop3A_486 : i32 to index
        %parallel_loop3A_494 = tpu.vector_load %parallel_loop3A_491[%parallel_loop3A_492, %parallel_loop3A_493] {strides = array<i32>} : memref<32x512xf32, #tpu.memory_space<vmem>>, vector<16xf32>,
        tpu.vector_store %parallel_loop3A_491[%parallel_loop3A_492, %parallel_loop3A_493], %parallel_loop3A_228 {strides = array<i32>} : memref<32x512xf32, #tpu.memory_space<vmem>>, vector<16xf32>,
        %parallel_loop3A_495 = arith.constant 16 : i32
        %parallel_loop3A_496 = arith.muli %parallel_loop3A_126, %parallel_loop3A_495 : i32
        %parallel_loop3A_497 = arith.constant 14 : i32
        %parallel_loop3A_498 = arith.constant 0 : i32
        %parallel_loop3A_499 = arith.constant 0 : i32
        %parallel_loop3A_500 = tpu.memref_slice %arg7[%rem3A_86, %parallel_loop3A_498, %parallel_loop3A_499] : memref<2x32x512xf32, #tpu.memory_space<vmem>> -> memref<1x32x512xf32, #tpu.memory_space<vmem>>
        %parallel_loop3A_501 = tpu.memref_squeeze %parallel_loop3A_500 : memref<1x32x512xf32, #tpu.memory_space<vmem>> -> memref<32x512xf32, #tpu.memory_space<vmem>>
        %parallel_loop3A_502 = arith.index_cast %parallel_loop3A_497 : i32 to index
        %parallel_loop3A_503 = arith.index_cast %parallel_loop3A_496 : i32 to index
        %parallel_loop3A_504 = tpu.vector_load %parallel_loop3A_501[%parallel_loop3A_502, %parallel_loop3A_503] {strides = array<i32>} : memref<32x512xf32, #tpu.memory_space<vmem>>, vector<16xf32>,
        tpu.vector_store %parallel_loop3A_501[%parallel_loop3A_502, %parallel_loop3A_503], %parallel_loop3A_235 {strides = array<i32>} : memref<32x512xf32, #tpu.memory_space<vmem>>, vector<16xf32>,
        %parallel_loop3A_505 = arith.constant 16 : i32
        %parallel_loop3A_506 = arith.muli %parallel_loop3A_126, %parallel_loop3A_505 : i32
        %parallel_loop3A_507 = arith.constant 15 : i32
        %parallel_loop3A_508 = arith.constant 0 : i32
        %parallel_loop3A_509 = arith.constant 0 : i32
        %parallel_loop3A_510 = tpu.memref_slice %arg7[%rem3A_86, %parallel_loop3A_508, %parallel_loop3A_509] : memref<2x32x512xf32, #tpu.memory_space<vmem>> -> memref<1x32x512xf32, #tpu.memory_space<vmem>>
        %parallel_loop3A_511 = tpu.memref_squeeze %parallel_loop3A_510 : memref<1x32x512xf32, #tpu.memory_space<vmem>> -> memref<32x512xf32, #tpu.memory_space<vmem>>
        %parallel_loop3A_512 = arith.index_cast %parallel_loop3A_507 : i32 to index
        %parallel_loop3A_513 = arith.index_cast %parallel_loop3A_506 : i32 to index
        %parallel_loop3A_514 = tpu.vector_load %parallel_loop3A_511[%parallel_loop3A_512, %parallel_loop3A_513] {strides = array<i32>} : memref<32x512xf32, #tpu.memory_space<vmem>>, vector<16xf32>,
        tpu.vector_store %parallel_loop3A_511[%parallel_loop3A_512, %parallel_loop3A_513], %parallel_loop3A_242 {strides = array<i32>} : memref<32x512xf32, #tpu.memory_space<vmem>>, vector<16xf32>,
        %parallel_loop3A_515 = arith.constant 16 : i32
        %parallel_loop3A_516 = arith.muli %parallel_loop3A_126, %parallel_loop3A_515 : i32
        %parallel_loop3A_517 = arith.constant 16 : i32
        %parallel_loop3A_518 = arith.constant 0 : i32
        %parallel_loop3A_519 = arith.constant 0 : i32
        %parallel_loop3A_520 = tpu.memref_slice %arg7[%rem3A_86, %parallel_loop3A_518, %parallel_loop3A_519] : memref<2x32x512xf32, #tpu.memory_space<vmem>> -> memref<1x32x512xf32, #tpu.memory_space<vmem>>
        %parallel_loop3A_521 = tpu.memref_squeeze %parallel_loop3A_520 : memref<1x32x512xf32, #tpu.memory_space<vmem>> -> memref<32x512xf32, #tpu.memory_space<vmem>>
        %parallel_loop3A_522 = arith.index_cast %parallel_loop3A_517 : i32 to index
        %parallel_loop3A_523 = arith.index_cast %parallel_loop3A_516 : i32 to index
        %parallel_loop3A_524 = tpu.vector_load %parallel_loop3A_521[%parallel_loop3A_522, %parallel_loop3A_523] {strides = array<i32>} : memref<32x512xf32, #tpu.memory_space<vmem>>, vector<16xf32>,
        tpu.vector_store %parallel_loop3A_521[%parallel_loop3A_522, %parallel_loop3A_523], %parallel_loop3A_249 {strides = array<i32>} : memref<32x512xf32, #tpu.memory_space<vmem>>, vector<16xf32>,
        %parallel_loop3A_525 = arith.constant 16 : i32
        %parallel_loop3A_526 = arith.muli %parallel_loop3A_126, %parallel_loop3A_525 : i32
        %parallel_loop3A_527 = arith.constant 17 : i32
        %parallel_loop3A_528 = arith.constant 0 : i32
        %parallel_loop3A_529 = arith.constant 0 : i32
        %parallel_loop3A_530 = tpu.memref_slice %arg7[%rem3A_86, %parallel_loop3A_528, %parallel_loop3A_529] : memref<2x32x512xf32, #tpu.memory_space<vmem>> -> memref<1x32x512xf32, #tpu.memory_space<vmem>>
        %parallel_loop3A_531 = tpu.memref_squeeze %parallel_loop3A_530 : memref<1x32x512xf32, #tpu.memory_space<vmem>> -> memref<32x512xf32, #tpu.memory_space<vmem>>
        %parallel_loop3A_532 = arith.index_cast %parallel_loop3A_527 : i32 to index
        %parallel_loop3A_533 = arith.index_cast %parallel_loop3A_526 : i32 to index
        %parallel_loop3A_534 = tpu.vector_load %parallel_loop3A_531[%parallel_loop3A_532, %parallel_loop3A_533] {strides = array<i32>} : memref<32x512xf32, #tpu.memory_space<vmem>>, vector<16xf32>,
        tpu.vector_store %parallel_loop3A_531[%parallel_loop3A_532, %parallel_loop3A_533], %parallel_loop3A_256 {strides = array<i32>} : memref<32x512xf32, #tpu.memory_space<vmem>>, vector<16xf32>,
        %parallel_loop3A_535 = arith.constant 16 : i32
        %parallel_loop3A_536 = arith.muli %parallel_loop3A_126, %parallel_loop3A_535 : i32
        %parallel_loop3A_537 = arith.constant 18 : i32
        %parallel_loop3A_538 = arith.constant 0 : i32
        %parallel_loop3A_539 = arith.constant 0 : i32
        %parallel_loop3A_540 = tpu.memref_slice %arg7[%rem3A_86, %parallel_loop3A_538, %parallel_loop3A_539] : memref<2x32x512xf32, #tpu.memory_space<vmem>> -> memref<1x32x512xf32, #tpu.memory_space<vmem>>
        %parallel_loop3A_541 = tpu.memref_squeeze %parallel_loop3A_540 : memref<1x32x512xf32, #tpu.memory_space<vmem>> -> memref<32x512xf32, #tpu.memory_space<vmem>>
        %parallel_loop3A_542 = arith.index_cast %parallel_loop3A_537 : i32 to index
        %parallel_loop3A_543 = arith.index_cast %parallel_loop3A_536 : i32 to index
        %parallel_loop3A_544 = tpu.vector_load %parallel_loop3A_541[%parallel_loop3A_542, %parallel_loop3A_543] {strides = array<i32>} : memref<32x512xf32, #tpu.memory_space<vmem>>, vector<16xf32>,
        tpu.vector_store %parallel_loop3A_541[%parallel_loop3A_542, %parallel_loop3A_543], %parallel_loop3A_263 {strides = array<i32>} : memref<32x512xf32, #tpu.memory_space<vmem>>, vector<16xf32>,
        %parallel_loop3A_545 = arith.constant 16 : i32
        %parallel_loop3A_546 = arith.muli %parallel_loop3A_126, %parallel_loop3A_545 : i32
        %parallel_loop3A_547 = arith.constant 19 : i32
        %parallel_loop3A_548 = arith.constant 0 : i32
        %parallel_loop3A_549 = arith.constant 0 : i32
        %parallel_loop3A_550 = tpu.memref_slice %arg7[%rem3A_86, %parallel_loop3A_548, %parallel_loop3A_549] : memref<2x32x512xf32, #tpu.memory_space<vmem>> -> memref<1x32x512xf32, #tpu.memory_space<vmem>>
        %parallel_loop3A_551 = tpu.memref_squeeze %parallel_loop3A_550 : memref<1x32x512xf32, #tpu.memory_space<vmem>> -> memref<32x512xf32, #tpu.memory_space<vmem>>
        %parallel_loop3A_552 = arith.index_cast %parallel_loop3A_547 : i32 to index
        %parallel_loop3A_553 = arith.index_cast %parallel_loop3A_546 : i32 to index
        %parallel_loop3A_554 = tpu.vector_load %parallel_loop3A_551[%parallel_loop3A_552, %parallel_loop3A_553] {strides = array<i32>} : memref<32x512xf32, #tpu.memory_space<vmem>>, vector<16xf32>,
        tpu.vector_store %parallel_loop3A_551[%parallel_loop3A_552, %parallel_loop3A_553], %parallel_loop3A_270 {strides = array<i32>} : memref<32x512xf32, #tpu.memory_space<vmem>>, vector<16xf32>,
        %parallel_loop3A_555 = arith.constant 16 : i32
        %parallel_loop3A_556 = arith.muli %parallel_loop3A_126, %parallel_loop3A_555 : i32
        %parallel_loop3A_557 = arith.constant 20 : i32
        %parallel_loop3A_558 = arith.constant 0 : i32
        %parallel_loop3A_559 = arith.constant 0 : i32
        %parallel_loop3A_560 = tpu.memref_slice %arg7[%rem3A_86, %parallel_loop3A_558, %parallel_loop3A_559] : memref<2x32x512xf32, #tpu.memory_space<vmem>> -> memref<1x32x512xf32, #tpu.memory_space<vmem>>
        %parallel_loop3A_561 = tpu.memref_squeeze %parallel_loop3A_560 : memref<1x32x512xf32, #tpu.memory_space<vmem>> -> memref<32x512xf32, #tpu.memory_space<vmem>>
        %parallel_loop3A_562 = arith.index_cast %parallel_loop3A_557 : i32 to index
        %parallel_loop3A_563 = arith.index_cast %parallel_loop3A_556 : i32 to index
        %parallel_loop3A_564 = tpu.vector_load %parallel_loop3A_561[%parallel_loop3A_562, %parallel_loop3A_563] {strides = array<i32>} : memref<32x512xf32, #tpu.memory_space<vmem>>, vector<16xf32>,
        tpu.vector_store %parallel_loop3A_561[%parallel_loop3A_562, %parallel_loop3A_563], %parallel_loop3A_277 {strides = array<i32>} : memref<32x512xf32, #tpu.memory_space<vmem>>, vector<16xf32>,
        %parallel_loop3A_565 = arith.constant 16 : i32
        %parallel_loop3A_566 = arith.muli %parallel_loop3A_126, %parallel_loop3A_565 : i32
        %parallel_loop3A_567 = arith.constant 21 : i32
        %parallel_loop3A_568 = arith.constant 0 : i32
        %parallel_loop3A_569 = arith.constant 0 : i32
        %parallel_loop3A_570 = tpu.memref_slice %arg7[%rem3A_86, %parallel_loop3A_568, %parallel_loop3A_569] : memref<2x32x512xf32, #tpu.memory_space<vmem>> -> memref<1x32x512xf32, #tpu.memory_space<vmem>>
        %parallel_loop3A_571 = tpu.memref_squeeze %parallel_loop3A_570 : memref<1x32x512xf32, #tpu.memory_space<vmem>> -> memref<32x512xf32, #tpu.memory_space<vmem>>
        %parallel_loop3A_572 = arith.index_cast %parallel_loop3A_567 : i32 to index
        %parallel_loop3A_573 = arith.index_cast %parallel_loop3A_566 : i32 to index
        %parallel_loop3A_574 = tpu.vector_load %parallel_loop3A_571[%parallel_loop3A_572, %parallel_loop3A_573] {strides = array<i32>} : memref<32x512xf32, #tpu.memory_space<vmem>>, vector<16xf32>,
        tpu.vector_store %parallel_loop3A_571[%parallel_loop3A_572, %parallel_loop3A_573], %parallel_loop3A_284 {strides = array<i32>} : memref<32x512xf32, #tpu.memory_space<vmem>>, vector<16xf32>,
        %parallel_loop3A_575 = arith.constant 16 : i32
        %parallel_loop3A_576 = arith.muli %parallel_loop3A_126, %parallel_loop3A_575 : i32
        %parallel_loop3A_577 = arith.constant 22 : i32
        %parallel_loop3A_578 = arith.constant 0 : i32
        %parallel_loop3A_579 = arith.constant 0 : i32
        %parallel_loop3A_580 = tpu.memref_slice %arg7[%rem3A_86, %parallel_loop3A_578, %parallel_loop3A_579] : memref<2x32x512xf32, #tpu.memory_space<vmem>> -> memref<1x32x512xf32, #tpu.memory_space<vmem>>
        %parallel_loop3A_581 = tpu.memref_squeeze %parallel_loop3A_580 : memref<1x32x512xf32, #tpu.memory_space<vmem>> -> memref<32x512xf32, #tpu.memory_space<vmem>>
        %parallel_loop3A_582 = arith.index_cast %parallel_loop3A_577 : i32 to index
        %parallel_loop3A_583 = arith.index_cast %parallel_loop3A_576 : i32 to index
        %parallel_loop3A_584 = tpu.vector_load %parallel_loop3A_581[%parallel_loop3A_582, %parallel_loop3A_583] {strides = array<i32>} : memref<32x512xf32, #tpu.memory_space<vmem>>, vector<16xf32>,
        tpu.vector_store %parallel_loop3A_581[%parallel_loop3A_582, %parallel_loop3A_583], %parallel_loop3A_291 {strides = array<i32>} : memref<32x512xf32, #tpu.memory_space<vmem>>, vector<16xf32>,
        %parallel_loop3A_585 = arith.constant 16 : i32
        %parallel_loop3A_586 = arith.muli %parallel_loop3A_126, %parallel_loop3A_585 : i32
        %parallel_loop3A_587 = arith.constant 23 : i32
        %parallel_loop3A_588 = arith.constant 0 : i32
        %parallel_loop3A_589 = arith.constant 0 : i32
        %parallel_loop3A_590 = tpu.memref_slice %arg7[%rem3A_86, %parallel_loop3A_588, %parallel_loop3A_589] : memref<2x32x512xf32, #tpu.memory_space<vmem>> -> memref<1x32x512xf32, #tpu.memory_space<vmem>>
        %parallel_loop3A_591 = tpu.memref_squeeze %parallel_loop3A_590 : memref<1x32x512xf32, #tpu.memory_space<vmem>> -> memref<32x512xf32, #tpu.memory_space<vmem>>
        %parallel_loop3A_592 = arith.index_cast %parallel_loop3A_587 : i32 to index
        %parallel_loop3A_593 = arith.index_cast %parallel_loop3A_586 : i32 to index
        %parallel_loop3A_594 = tpu.vector_load %parallel_loop3A_591[%parallel_loop3A_592, %parallel_loop3A_593] {strides = array<i32>} : memref<32x512xf32, #tpu.memory_space<vmem>>, vector<16xf32>,
        tpu.vector_store %parallel_loop3A_591[%parallel_loop3A_592, %parallel_loop3A_593], %parallel_loop3A_298 {strides = array<i32>} : memref<32x512xf32, #tpu.memory_space<vmem>>, vector<16xf32>,
        %parallel_loop3A_595 = arith.constant 16 : i32
        %parallel_loop3A_596 = arith.muli %parallel_loop3A_126, %parallel_loop3A_595 : i32
        %parallel_loop3A_597 = arith.constant 24 : i32
        %parallel_loop3A_598 = arith.constant 0 : i32
        %parallel_loop3A_599 = arith.constant 0 : i32
        %parallel_loop3A_600 = tpu.memref_slice %arg7[%rem3A_86, %parallel_loop3A_598, %parallel_loop3A_599] : memref<2x32x512xf32, #tpu.memory_space<vmem>> -> memref<1x32x512xf32, #tpu.memory_space<vmem>>
        %parallel_loop3A_601 = tpu.memref_squeeze %parallel_loop3A_600 : memref<1x32x512xf32, #tpu.memory_space<vmem>> -> memref<32x512xf32, #tpu.memory_space<vmem>>
        %parallel_loop3A_602 = arith.index_cast %parallel_loop3A_597 : i32 to index
        %parallel_loop3A_603 = arith.index_cast %parallel_loop3A_596 : i32 to index
        %parallel_loop3A_604 = tpu.vector_load %parallel_loop3A_601[%parallel_loop3A_602, %parallel_loop3A_603] {strides = array<i32>} : memref<32x512xf32, #tpu.memory_space<vmem>>, vector<16xf32>,
        tpu.vector_store %parallel_loop3A_601[%parallel_loop3A_602, %parallel_loop3A_603], %parallel_loop3A_305 {strides = array<i32>} : memref<32x512xf32, #tpu.memory_space<vmem>>, vector<16xf32>,
        %parallel_loop3A_605 = arith.constant 16 : i32
        %parallel_loop3A_606 = arith.muli %parallel_loop3A_126, %parallel_loop3A_605 : i32
        %parallel_loop3A_607 = arith.constant 25 : i32
        %parallel_loop3A_608 = arith.constant 0 : i32
        %parallel_loop3A_609 = arith.constant 0 : i32
        %parallel_loop3A_610 = tpu.memref_slice %arg7[%rem3A_86, %parallel_loop3A_608, %parallel_loop3A_609] : memref<2x32x512xf32, #tpu.memory_space<vmem>> -> memref<1x32x512xf32, #tpu.memory_space<vmem>>
        %parallel_loop3A_611 = tpu.memref_squeeze %parallel_loop3A_610 : memref<1x32x512xf32, #tpu.memory_space<vmem>> -> memref<32x512xf32, #tpu.memory_space<vmem>>
        %parallel_loop3A_612 = arith.index_cast %parallel_loop3A_607 : i32 to index
        %parallel_loop3A_613 = arith.index_cast %parallel_loop3A_606 : i32 to index
        %parallel_loop3A_614 = tpu.vector_load %parallel_loop3A_611[%parallel_loop3A_612, %parallel_loop3A_613] {strides = array<i32>} : memref<32x512xf32, #tpu.memory_space<vmem>>, vector<16xf32>,
        tpu.vector_store %parallel_loop3A_611[%parallel_loop3A_612, %parallel_loop3A_613], %parallel_loop3A_312 {strides = array<i32>} : memref<32x512xf32, #tpu.memory_space<vmem>>, vector<16xf32>,
        %parallel_loop3A_615 = arith.constant 16 : i32
        %parallel_loop3A_616 = arith.muli %parallel_loop3A_126, %parallel_loop3A_615 : i32
        %parallel_loop3A_617 = arith.constant 26 : i32
        %parallel_loop3A_618 = arith.constant 0 : i32
        %parallel_loop3A_619 = arith.constant 0 : i32
        %parallel_loop3A_620 = tpu.memref_slice %arg7[%rem3A_86, %parallel_loop3A_618, %parallel_loop3A_619] : memref<2x32x512xf32, #tpu.memory_space<vmem>> -> memref<1x32x512xf32, #tpu.memory_space<vmem>>
        %parallel_loop3A_621 = tpu.memref_squeeze %parallel_loop3A_620 : memref<1x32x512xf32, #tpu.memory_space<vmem>> -> memref<32x512xf32, #tpu.memory_space<vmem>>
        %parallel_loop3A_622 = arith.index_cast %parallel_loop3A_617 : i32 to index
        %parallel_loop3A_623 = arith.index_cast %parallel_loop3A_616 : i32 to index
        %parallel_loop3A_624 = tpu.vector_load %parallel_loop3A_621[%parallel_loop3A_622, %parallel_loop3A_623] {strides = array<i32>} : memref<32x512xf32, #tpu.memory_space<vmem>>, vector<16xf32>,
        tpu.vector_store %parallel_loop3A_621[%parallel_loop3A_622, %parallel_loop3A_623], %parallel_loop3A_319 {strides = array<i32>} : memref<32x512xf32, #tpu.memory_space<vmem>>, vector<16xf32>,
        %parallel_loop3A_625 = arith.constant 16 : i32
        %parallel_loop3A_626 = arith.muli %parallel_loop3A_126, %parallel_loop3A_625 : i32
        %parallel_loop3A_627 = arith.constant 27 : i32
        %parallel_loop3A_628 = arith.constant 0 : i32
        %parallel_loop3A_629 = arith.constant 0 : i32
        %parallel_loop3A_630 = tpu.memref_slice %arg7[%rem3A_86, %parallel_loop3A_628, %parallel_loop3A_629] : memref<2x32x512xf32, #tpu.memory_space<vmem>> -> memref<1x32x512xf32, #tpu.memory_space<vmem>>
        %parallel_loop3A_631 = tpu.memref_squeeze %parallel_loop3A_630 : memref<1x32x512xf32, #tpu.memory_space<vmem>> -> memref<32x512xf32, #tpu.memory_space<vmem>>
        %parallel_loop3A_632 = arith.index_cast %parallel_loop3A_627 : i32 to index
        %parallel_loop3A_633 = arith.index_cast %parallel_loop3A_626 : i32 to index
        %parallel_loop3A_634 = tpu.vector_load %parallel_loop3A_631[%parallel_loop3A_632, %parallel_loop3A_633] {strides = array<i32>} : memref<32x512xf32, #tpu.memory_space<vmem>>, vector<16xf32>,
        tpu.vector_store %parallel_loop3A_631[%parallel_loop3A_632, %parallel_loop3A_633], %parallel_loop3A_326 {strides = array<i32>} : memref<32x512xf32, #tpu.memory_space<vmem>>, vector<16xf32>,
        %parallel_loop3A_635 = arith.constant 16 : i32
        %parallel_loop3A_636 = arith.muli %parallel_loop3A_126, %parallel_loop3A_635 : i32
        %parallel_loop3A_637 = arith.constant 28 : i32
        %parallel_loop3A_638 = arith.constant 0 : i32
        %parallel_loop3A_639 = arith.constant 0 : i32
        %parallel_loop3A_640 = tpu.memref_slice %arg7[%rem3A_86, %parallel_loop3A_638, %parallel_loop3A_639] : memref<2x32x512xf32, #tpu.memory_space<vmem>> -> memref<1x32x512xf32, #tpu.memory_space<vmem>>
        %parallel_loop3A_641 = tpu.memref_squeeze %parallel_loop3A_640 : memref<1x32x512xf32, #tpu.memory_space<vmem>> -> memref<32x512xf32, #tpu.memory_space<vmem>>
        %parallel_loop3A_642 = arith.index_cast %parallel_loop3A_637 : i32 to index
        %parallel_loop3A_643 = arith.index_cast %parallel_loop3A_636 : i32 to index
        %parallel_loop3A_644 = tpu.vector_load %parallel_loop3A_641[%parallel_loop3A_642, %parallel_loop3A_643] {strides = array<i32>} : memref<32x512xf32, #tpu.memory_space<vmem>>, vector<16xf32>,
        tpu.vector_store %parallel_loop3A_641[%parallel_loop3A_642, %parallel_loop3A_643], %parallel_loop3A_333 {strides = array<i32>} : memref<32x512xf32, #tpu.memory_space<vmem>>, vector<16xf32>,
        %parallel_loop3A_645 = arith.constant 16 : i32
        %parallel_loop3A_646 = arith.muli %parallel_loop3A_126, %parallel_loop3A_645 : i32
        %parallel_loop3A_647 = arith.constant 29 : i32
        %parallel_loop3A_648 = arith.constant 0 : i32
        %parallel_loop3A_649 = arith.constant 0 : i32
        %parallel_loop3A_650 = tpu.memref_slice %arg7[%rem3A_86, %parallel_loop3A_648, %parallel_loop3A_649] : memref<2x32x512xf32, #tpu.memory_space<vmem>> -> memref<1x32x512xf32, #tpu.memory_space<vmem>>
        %parallel_loop3A_651 = tpu.memref_squeeze %parallel_loop3A_650 : memref<1x32x512xf32, #tpu.memory_space<vmem>> -> memref<32x512xf32, #tpu.memory_space<vmem>>
        %parallel_loop3A_652 = arith.index_cast %parallel_loop3A_647 : i32 to index
        %parallel_loop3A_653 = arith.index_cast %parallel_loop3A_646 : i32 to index
        %parallel_loop3A_654 = tpu.vector_load %parallel_loop3A_651[%parallel_loop3A_652, %parallel_loop3A_653] {strides = array<i32>} : memref<32x512xf32, #tpu.memory_space<vmem>>, vector<16xf32>,
        tpu.vector_store %parallel_loop3A_651[%parallel_loop3A_652, %parallel_loop3A_653], %parallel_loop3A_340 {strides = array<i32>} : memref<32x512xf32, #tpu.memory_space<vmem>>, vector<16xf32>,
        %parallel_loop3A_655 = arith.constant 16 : i32
        %parallel_loop3A_656 = arith.muli %parallel_loop3A_126, %parallel_loop3A_655 : i32
        %parallel_loop3A_657 = arith.constant 30 : i32
        %parallel_loop3A_658 = arith.constant 0 : i32
        %parallel_loop3A_659 = arith.constant 0 : i32
        %parallel_loop3A_660 = tpu.memref_slice %arg7[%rem3A_86, %parallel_loop3A_658, %parallel_loop3A_659] : memref<2x32x512xf32, #tpu.memory_space<vmem>> -> memref<1x32x512xf32, #tpu.memory_space<vmem>>
        %parallel_loop3A_661 = tpu.memref_squeeze %parallel_loop3A_660 : memref<1x32x512xf32, #tpu.memory_space<vmem>> -> memref<32x512xf32, #tpu.memory_space<vmem>>
        %parallel_loop3A_662 = arith.index_cast %parallel_loop3A_657 : i32 to index
        %parallel_loop3A_663 = arith.index_cast %parallel_loop3A_656 : i32 to index
        %parallel_loop3A_664 = tpu.vector_load %parallel_loop3A_661[%parallel_loop3A_662, %parallel_loop3A_663] {strides = array<i32>} : memref<32x512xf32, #tpu.memory_space<vmem>>, vector<16xf32>,
        tpu.vector_store %parallel_loop3A_661[%parallel_loop3A_662, %parallel_loop3A_663], %parallel_loop3A_347 {strides = array<i32>} : memref<32x512xf32, #tpu.memory_space<vmem>>, vector<16xf32>,
        %parallel_loop3A_665 = arith.constant 16 : i32
        %parallel_loop3A_666 = arith.muli %parallel_loop3A_126, %parallel_loop3A_665 : i32
        %parallel_loop3A_667 = arith.constant 31 : i32
        %parallel_loop3A_668 = arith.constant 0 : i32
        %parallel_loop3A_669 = arith.constant 0 : i32
        %parallel_loop3A_670 = tpu.memref_slice %arg7[%rem3A_86, %parallel_loop3A_668, %parallel_loop3A_669] : memref<2x32x512xf32, #tpu.memory_space<vmem>> -> memref<1x32x512xf32, #tpu.memory_space<vmem>>
        %parallel_loop3A_671 = tpu.memref_squeeze %parallel_loop3A_670 : memref<1x32x512xf32, #tpu.memory_space<vmem>> -> memref<32x512xf32, #tpu.memory_space<vmem>>
        %parallel_loop3A_672 = arith.index_cast %parallel_loop3A_667 : i32 to index
        %parallel_loop3A_673 = arith.index_cast %parallel_loop3A_666 : i32 to index
        %parallel_loop3A_674 = tpu.vector_load %parallel_loop3A_671[%parallel_loop3A_672, %parallel_loop3A_673] {strides = array<i32>} : memref<32x512xf32, #tpu.memory_space<vmem>>, vector<16xf32>,
        tpu.vector_store %parallel_loop3A_671[%parallel_loop3A_672, %parallel_loop3A_673], %parallel_loop3A_354 {strides = array<i32>} : memref<32x512xf32, #tpu.memory_space<vmem>>, vector<16xf32>,
      } {sc.loop_unroll_factor = 2 : i64, sc.parallel_access}
      %dma_start3A_112 = arith.constant 0 : i32
      %dma_start3A_113 = arith.constant 0 : i32
      %dma_start3A_114 = tpu.memref_slice %arg7[%rem3A_86, %dma_start3A_112, %dma_start3A_113] : memref<2x32x512xf32, #tpu.memory_space<vmem>> -> memref<1x32x512xf32, #tpu.memory_space<vmem>>
      %dma_start3A_115 = tpu.memref_squeeze %dma_start3A_114 : memref<1x32x512xf32, #tpu.memory_space<vmem>> -> memref<32x512xf32, #tpu.memory_space<vmem>>
      %dma_start3A_116 = arith.constant 0 : i32
      %dma_start3A_117 = tpu.memref_slice %arg4[%scan3A_84, %select_n3A, %mul3A_32, %dma_start3A_116] : memref<32x16x64x512xf32, #tpu.memory_space<hbm>> -> memref<1x1x32x512xf32, #tpu.memory_space<hbm>>
      %dma_start3A_118 = tpu.memref_squeeze %dma_start3A_117 : memref<1x1x32x512xf32, #tpu.memory_space<hbm>> -> memref<32x512xf32, #tpu.memory_space<hbm>>
      %dma_start3A_119 = arith.constant 0 : i32
      %dma_start3A_120 = tpu.memref_slice %arg4[%scan3A_84, %select_n3A, %mul3A_32, %dma_start3A_119] : memref<32x16x64x512xf32, #tpu.memory_space<hbm>> -> memref<1x1x32x512xf32, #tpu.memory_space<hbm>>
      %dma_start3A_121 = tpu.memref_squeeze %dma_start3A_120 : memref<1x1x32x512xf32, #tpu.memory_space<hbm>> -> memref<32x512xf32, #tpu.memory_space<hbm>>
      %dma_start3A_122 = arith.constant 0 : i32
      %dma_start3A_123 = arith.constant 0 : i32
      %dma_start3A_124 = tpu.memref_slice %arg7[%rem3A_86, %dma_start3A_122, %dma_start3A_123] : memref<2x32x512xf32, #tpu.memory_space<vmem>> -> memref<1x32x512xf32, #tpu.memory_space<vmem>>
      %dma_start3A_125 = tpu.memref_squeeze %dma_start3A_124 : memref<1x32x512xf32, #tpu.memory_space<vmem>> -> memref<32x512xf32, #tpu.memory_space<vmem>>
      tpu.enqueue_dma source(%dma_start3A_125 : memref<32x512xf32, #tpu.memory_space<vmem>>) target(%dma_start3A_121 : memref<32x512xf32, #tpu.memory_space<hbm>>) target_semaphore(%arg9 : memref<!tpu.dma_semaphore, #tpu.memory_space<semaphore_mem>>)
    }
    %scan3A_52 = arith.constant 32 : i32
    %dma_wait3A = arith.constant 0 : i32
    %dma_wait3A_53 = arith.constant 30 : i32
    %dma_wait3A_54 = arith.constant 0 : i32
    %dma_wait3A_55 = arith.constant 0 : i32
    %dma_wait3A_56 = tpu.memref_slice %arg7[%dma_wait3A, %dma_wait3A_54, %dma_wait3A_55] : memref<2x32x512xf32, #tpu.memory_space<vmem>> -> memref<1x32x512xf32, #tpu.memory_space<vmem>>
    %dma_wait3A_57 = tpu.memref_squeeze %dma_wait3A_56 : memref<1x32x512xf32, #tpu.memory_space<vmem>> -> memref<32x512xf32, #tpu.memory_space<vmem>>
    %dma_wait3A_58 = arith.constant 0 : i32
    %dma_wait3A_59 = tpu.memref_slice %arg4[%dma_wait3A_53, %select_n3A, %mul3A_32, %dma_wait3A_58] : memref<32x16x64x512xf32, #tpu.memory_space<hbm>> -> memref<1x1x32x512xf32, #tpu.memory_space<hbm>>
    %dma_wait3A_60 = tpu.memref_squeeze %dma_wait3A_59 : memref<1x1x32x512xf32, #tpu.memory_space<hbm>> -> memref<32x512xf32, #tpu.memory_space<hbm>>
    %dma_wait3A_61 = arith.constant 0 : i32
    %dma_wait3A_62 = tpu.memref_slice %arg4[%dma_wait3A_53, %select_n3A, %mul3A_32, %dma_wait3A_61] : memref<32x16x64x512xf32, #tpu.memory_space<hbm>> -> memref<1x1x32x512xf32, #tpu.memory_space<hbm>>
    %dma_wait3A_63 = tpu.memref_squeeze %dma_wait3A_62 : memref<1x1x32x512xf32, #tpu.memory_space<hbm>> -> memref<32x512xf32, #tpu.memory_space<hbm>>
    %dma_wait3A_64 = arith.constant 0 : i32
    %dma_wait3A_65 = arith.constant 0 : i32
    %dma_wait3A_66 = tpu.memref_slice %arg7[%dma_wait3A, %dma_wait3A_64, %dma_wait3A_65] : memref<2x32x512xf32, #tpu.memory_space<vmem>> -> memref<1x32x512xf32, #tpu.memory_space<vmem>>
    %dma_wait3A_67 = tpu.memref_squeeze %dma_wait3A_66 : memref<1x32x512xf32, #tpu.memory_space<vmem>> -> memref<32x512xf32, #tpu.memory_space<vmem>>
    tpu.wait_dma2 semaphore(%arg9 : memref<!tpu.dma_semaphore, #tpu.memory_space<semaphore_mem>>) src(%dma_wait3A_67 : memref<32x512xf32, #tpu.memory_space<vmem>>) dst(%dma_wait3A_63 : memref<32x512xf32, #tpu.memory_space<hbm>>)
    %dma_wait3A_68 = arith.constant 1 : i32
    %dma_wait3A_69 = arith.constant 31 : i32
    %dma_wait3A_70 = arith.constant 0 : i32
    %dma_wait3A_71 = arith.constant 0 : i32
    %dma_wait3A_72 = tpu.memref_slice %arg7[%dma_wait3A_68, %dma_wait3A_70, %dma_wait3A_71] : memref<2x32x512xf32, #tpu.memory_space<vmem>> -> memref<1x32x512xf32, #tpu.memory_space<vmem>>
    %dma_wait3A_73 = tpu.memref_squeeze %dma_wait3A_72 : memref<1x32x512xf32, #tpu.memory_space<vmem>> -> memref<32x512xf32, #tpu.memory_space<vmem>>
    %dma_wait3A_74 = arith.constant 0 : i32
    %dma_wait3A_75 = tpu.memref_slice %arg4[%dma_wait3A_69, %select_n3A, %mul3A_32, %dma_wait3A_74] : memref<32x16x64x512xf32, #tpu.memory_space<hbm>> -> memref<1x1x32x512xf32, #tpu.memory_space<hbm>>
    %dma_wait3A_76 = tpu.memref_squeeze %dma_wait3A_75 : memref<1x1x32x512xf32, #tpu.memory_space<hbm>> -> memref<32x512xf32, #tpu.memory_space<hbm>>
    %dma_wait3A_77 = arith.constant 0 : i32
    %dma_wait3A_78 = tpu.memref_slice %arg4[%dma_wait3A_69, %select_n3A, %mul3A_32, %dma_wait3A_77] : memref<32x16x64x512xf32, #tpu.memory_space<hbm>> -> memref<1x1x32x512xf32, #tpu.memory_space<hbm>>
    %dma_wait3A_79 = tpu.memref_squeeze %dma_wait3A_78 : memref<1x1x32x512xf32, #tpu.memory_space<hbm>> -> memref<32x512xf32, #tpu.memory_space<hbm>>
    %dma_wait3A_80 = arith.constant 0 : i32
    %dma_wait3A_81 = arith.constant 0 : i32
    %dma_wait3A_82 = tpu.memref_slice %arg7[%dma_wait3A_68, %dma_wait3A_80, %dma_wait3A_81] : memref<2x32x512xf32, #tpu.memory_space<vmem>> -> memref<1x32x512xf32, #tpu.memory_space<vmem>>
    %dma_wait3A_83 = tpu.memref_squeeze %dma_wait3A_82 : memref<1x32x512xf32, #tpu.memory_space<vmem>> -> memref<32x512xf32, #tpu.memory_space<vmem>>
    tpu.wait_dma2 semaphore(%arg9 : memref<!tpu.dma_semaphore, #tpu.memory_space<semaphore_mem>>) src(%dma_wait3A_83 : memref<32x512xf32, #tpu.memory_space<vmem>>) dst(%dma_wait3A_79 : memref<32x512xf32, #tpu.memory_space<hbm>>)
    return
  }
}

</mosaic_0001>

<sc_bundles>
// kernel: kernel.3.cloned.1.call-start
scs
__scs_entry_jumppad:
0x0: {  	(pc) =	sbr.rel $0x88, $3  }
0x1: {  	(tag) =	ssettag $0x0;
	lr =	simm.s32 $0x1  }
0x2: {  	[smem:$0x3F9F] =	sst lr;
	_ =	strace $0xD0000000  }
0x3: {  	_ = 	snop  }
0x4: {  	_ = 	snop  }
0x5: {  	_ = 	snop  }
0x6: {  	_ = 	snop  }
0x7: {  	_ = 	snop  }
__scs_overlays_trampoline_lowered:
0x8: {  	[smem:$0x3FAE] =	sst s0  }
0x9: {  	[smem:$0x3FAF] =	sst s1  }
0xa: {  	[smem:$0x3FB0] =	sst s2  }
0xb: {  	[smem:$0x3FB1] =	sst s3  }
0xc: {  	[smem:$0x3FB2] =	sst s4  }
0xd: {  	[smem:$0x3FB3] =	sst s5  }
0xe: {  	[smem:$0x3FB4] =	sst s6  }
0xf: {  	[smem:$0x3FB5] =	sst s7  }
0x10: {  	[smem:$0x3FB6] =	sst s8  }
0x11: {  	[smem:$0x3FB7] =	sst s9;
	s0 =	simm.s32 @!p0 $0x0  }
0x12: {  	s1 =	sld [smem:$0x3F9D];
	s0 =	simm.s32 @p0 $0x1  }
0x13: {  	[smem:$0x3FB8] =	sst s0;
	s0 =	simm.s32 @!p1 $0x0  }
0x14: {  	s2 =	sld [smem:$0x3F9C];
	s0 =	simm.s32 @p1 $0x1  }
0x15: {  	[smem:$0x3FB9] =	sst s0;
	s0 =	simm.s32 @!p2 $0x0  }
0x16: {  	s3 =	sld [smem:$0x3FDB];
	s0 =	simm.s32 @p2 $0x1  }
0x17: {  	s4 =	simm.s32 $0x1BF5;
	[smem:$0x3FBB] =	sst s0  }
0x18: {  	s0 =	sld [smem:$0x3F9E];
	_ =	swait.ge [sflag:s4], $0x0  }
0x19: {  	s7 =	sld [smem:$0x3F9F]  }
0x1a: {  	s8 =	sadd.s32 $0xFFFFE003, lr  }
0x1b: {  	s9 =	sadd.s32 $0xFFFFFEF7, lr;
	s5 =	simm.s32 $0xFFFFFFFF;
	p2 =	slt.u32 s8, $0xFFFFF086  }
0x1c: {  	p1 =	slt.u32 s9, $0xF7A;
	s5 =	simm.s32 @!p2 $0x0  }
0x1d: {  	s5 =	simm.s32 @p1 $0x1;
	p0 =	seq.s32 s7, s2  }
0x1e: {  	s7 =	smul.u32 @!p0 $0xF7A, s2;
	p2 =	seq.s32 @!p0 s5, $0x0  }
0x1f: {  	s9 =	smul.u32 $0xF7A, s1;
	s8 =	simm.s32 @!p0 $0x1BF5;
	p2 =	por !p2, p0  }
0x20: {  	[sflag:s8] =	ssyncset.s32 @!p0 $0xFFFFF086;
	s6 =	sadd.s32 @!p0 s3, s7;
	s7 =	simm.s32 @!p0 $0x108  }
0x21: {  	s3 =	sadd.s32 s3, s9;
	s6 =	sadd.s32 @!p0 $0x88, s6;
	s7 =	simm.s32 @p2 $0x1082  }
0x22: {  	[simem:s7], [sflag:s8] =	dma.local @!p0 [hbm:s6], $0xF7A  }
0x23: {  	s9 =	sor.u32 $0xD0000000, s2;
	s6 =	simm.s32 $0x108;
	_ =	swait.ge @!p0 [sflag:s8], $0x0  }
0x24: {  	s3 =	sadd.s32 $0x88, s3;
	s6 =	simm.s32 @!p1 $0x1082;
	[sflag:s4] =	ssyncset.s32 $0xFFFFF086  }
0x25: {  	[simem:s6], [sflag:s4] =	dma.local [hbm:s3], $0xF7A  }
0x26: {  	[smem:$0x3F9F] =	sst s1;
	(tag) =	ssettag s2;
	_ =	strace s9  }
0x27: {  	s1 =	sld [smem:$0x3FAF]  }
0x28: {  	s2 =	sld [smem:$0x3FB0]  }
0x29: {  	s4 =	sld [smem:$0x3FB2]  }
0x2a: {  	p0 =	seq.s32 s5, $0x0;
	s5 =	sld [smem:$0x3FB3]  }
0x2b: {  	s6 =	sld [smem:$0x3FB4]  }
0x2c: {  	s7 =	sld [smem:$0x3FB5]  }
0x2d: {  	s3 =	simm.s32 $0x108;
	s8 =	sld [smem:$0x3FB6]  }
0x2e: {  	s3 =	simm.s32 @!p0 $0x1082;
	s9 =	sld [smem:$0x3FB7]  }
0x2f: {  	lr =	sadd.s32 s0, s3;
	s0 =	sld [smem:$0x3FAE]  }
0x30: {  	s3 =	sld [smem:$0x3FB1]  }
0x31: {  	[smem:$0x3FBA] =	sst s10  }
0x32: {  	s10 =	sld [smem:$0x3FB8];
	_ =	sdelay $0x3  }
0x33: {  	p0 =	seq.s32 s10, $0x1;
	s10 =	sld [smem:$0x3FBA];
	_ =	sdelay $0x3  }
0x34: {  	[smem:$0x3FBA] =	sst s10  }
0x35: {  	s10 =	sld [smem:$0x3FB9];
	_ =	sdelay $0x3  }
0x36: {  	p1 =	seq.s32 s10, $0x1;
	s10 =	sld [smem:$0x3FBA];
	_ =	sdelay $0x3  }
0x37: {  	[smem:$0x3FBA] =	sst s10  }
0x38: {  	s10 =	sld [smem:$0x3FBB]  }
0x39: {  	_ = 	snop;
	(pc) =	sbr.ind lr, $3  }
0x3a: {  	_ = 	snop  }
0x3b: {  	_ = 	snop  }
0x3c: {  	p2 =	seq.s32 s10, $0x1;
	s10 =	sld [smem:$0x3FBA]  }
0x3d: {  	_ =	shalt  }
0x3e: {  	_ =	shalt  }
0x3f: {  	_ =	shalt  }
0x40: {  	_ =	shalt  }
0x41: {  	_ =	shalt  }
0x42: {  	_ =	shalt  }
0x43: {  	_ =	shalt  }
0x44: {  	_ =	shalt  }
0x45: {  	_ =	shalt  }
0x46: {  	_ =	shalt  }
0x47: {  	_ =	shalt  }
0x48: {  	_ =	shalt  }
0x49: {  	_ =	shalt  }
0x4a: {  	_ =	shalt  }
0x4b: {  	_ =	shalt  }
0x4c: {  	_ =	shalt  }
0x4d: {  	_ =	shalt  }
0x4e: {  	_ =	shalt  }
0x4f: {  	_ =	shalt  }
0x50: {  	_ =	shalt  }
0x51: {  	_ =	shalt  }
0x52: {  	_ =	shalt  }
0x53: {  	_ =	shalt  }
0x54: {  	_ =	shalt  }
0x55: {  	_ =	shalt  }
0x56: {  	_ =	shalt  }
0x57: {  	_ =	shalt  }
0x58: {  	_ =	shalt  }
0x59: {  	_ =	shalt  }
0x5a: {  	_ =	shalt  }
0x5b: {  	_ =	shalt  }
0x5c: {  	_ =	shalt  }
0x5d: {  	_ =	shalt  }
0x5e: {  	_ =	shalt  }
0x5f: {  	_ =	shalt  }
0x60: {  	_ =	shalt  }
0x61: {  	_ =	shalt  }
0x62: {  	_ =	shalt  }
0x63: {  	_ =	shalt  }
0x64: {  	_ =	shalt  }
0x65: {  	_ =	shalt  }
0x66: {  	_ =	shalt  }
0x67: {  	_ =	shalt  }
0x68: {  	_ =	shalt  }
0x69: {  	_ =	shalt  }
0x6a: {  	_ =	shalt  }
0x6b: {  	_ =	shalt  }
0x6c: {  	_ =	shalt  }
0x6d: {  	_ =	shalt  }
0x6e: {  	_ =	shalt  }
0x6f: {  	_ =	shalt  }
0x70: {  	_ =	shalt  }
0x71: {  	_ =	shalt  }
0x72: {  	_ =	shalt  }
0x73: {  	_ =	shalt  }
0x74: {  	_ =	shalt  }
0x75: {  	_ =	shalt  }
0x76: {  	_ =	shalt  }
0x77: {  	_ =	shalt  }
0x78: {  	_ =	shalt  }
0x79: {  	_ =	shalt  }
0x7a: {  	_ =	shalt  }
0x7b: {  	_ =	shalt  }
0x7c: {  	_ =	shalt  }
0x7d: {  	_ =	shalt  }
0x7e: {  	_ =	shalt  }
0x7f: {  	_ =	shalt  }
0x80: {  	_ =	shalt  }
0x81: {  	_ =	shalt  }
0x82: {  	_ =	shalt  }
0x83: {  	_ =	shalt  }
0x84: {  	_ =	shalt  }
0x85: {  	_ =	shalt  }
0x86: {  	_ =	shalt  }
0x87: {  	_ =	shalt  }
.Lfunc_end0:
.L_simem_size_0:
called_computation_lowered:
.L_overlay_start_0:
0x88: {  	s2 =	sld [smem:$0x3FD9]  }
0x89: {  	s3 =	sld [smem:$0x3FFE];
	_ =	sdelay $0x1  }
0x8a: {  	s1 =	srdreg.scid  }
0x8b: {  	s0 =	sand.u32 $0x1, s1  }
0x8c: {  	s18 =	sshll.u32 s0, $0xA;
	s2 =	sadd.s32 s3, s2  }
0x8d: {  	s2 =	sadd.s32 s2, s18  }
0x8e: {  	[smem:$0x3FC6] =	sst s2  }
0x8f: {  	_ = 	snop  }
0x90: {  	s2 =	sld [smem:$0x3FC9]  }
0x91: {  	s19 =	sld [smem:$0x3FC8]  }
0x92: {  	s4 =	sld [smem:$0x3FD0];
	(tm) =	ssettm $0x1  }
0x93: {  	s5 =	sld [smem:$0x3FFB];
	_ =	sdelay $0x3  }
0x94: {  	_ =	strace s5  }
0x95: {  	s5 =	sld [smem:$0x3FFC];
	_ =	sdelay $0x3  }
0x96: {  	_ =	strace s5  }
0x97: {  	s5 =	sld [smem:$0x3FFD];
	_ =	sdelay $0x3  }
0x98: {  	_ =	strace s5  }
0x99: {  	_ =	strace $0x8FFFFFFF  }
0x9a: {  	s20 =	sld [smem:$0x3FDB];
	_ =	sdelay $0x1  }
0x9b: {  	s6 =	simm.s32 $_scs_section_size  }
0x9c: {  	s7 =	simm.s32 $_size__tile_overlayer_lowered;
	s8 =	simm.s32 $_tile_overlayer_lowered  }
0x9d: {  	s23 =	simm.s32 $0x1BFF;
	s22 =	sshll.u32 s8, $0x1;
	s5 =	sadd.s32 s6, s20  }
0x9e: {  	s9 =	simm.s32 $0x0;
	s21 =	sshll.u32 s7, $0x1;
	s7 =	sadd.s32 s22, s5  }
0x9f: {  	[timem:s9], [sflag:s23] =	dma.local [hbm:s7], s21  }
0xa0: {  	_ =	swait.ge [sflag:s23], s21  }
0xa1: {  	s6 =	ssub.s32 $0x0, s21;
	[sflag:s23] =	ssyncset.done $0x0  }
0xa2: {  	[sflag:s23] =	ssyncadd.s32 s6;
	_ =	sdelay $0x1  }
0xa3: {  	s24 =	simm.s32 $0x1B8B  }
0xa4: {  	_ =	swait.ge [sflag:s24], $0x1  }
0xa5: {  	[sflag:s24] =	ssyncset.done $0x0  }
0xa6: {  	s25 =	simm.s32 $0x1B8E;
	[sflag:s24] =	ssyncadd.s32 $0xFFFFFFFF  }
0xa7: {  	s26 =	simm.s32 $execute0_lowered;
	[smem:$0x3FD2] =	sst s25  }
0xa8: {  	s6 =	sshll.u32 s26, $0x1;
	_ =	strace $0x80000046;
	[dreg:$0x1] =	wrdreg $0xFFFFFFFF  }
0xa9: {  	s28 =	simm.s32 $_size_execute0_lowered;
	s5 =	sadd.s32 s5, s6;
	[dreg:$0x0] =	wrdreg $0x0  }
0xaa: {  	s6 =	sshll.u32 s28, $0x1;
	[dreg:$0x2] =	wrdreg s5  }
0xab: {  	[dreg:$0x3] =	wrdreg s6  }
0xac: {  	[dreg:$0x4] =	wrdreg $0xC0  }
0xad: {  	_ =	task [dreg:s9], $0x5FFFF  }
0xae: {  	[dreg:$0x1] =	wrdreg $0xFFFFFFFF  }
0xaf: {  	[dreg:$0x0] =	wrdreg $0x60  }
0xb0: {  	[dreg:$0x2] =	wrdreg s2  }
0xb1: {  	[dreg:$0x3] =	wrdreg s19  }
0xb2: {  	[dreg:$0x4] =	wrdreg s4  }
0xb3: {  	[dreg:$0x5] =	wrdreg $0x9  }
0xb4: {  	_ =	task.clear_ibuf [dreg:s9], $0x6FFFF;
	_ =	strace $0x90000046  }
0xb5: {  	s29 =	simm.s32 $0x9;
	_ =	strace $0x80000048  }
0xb6: {  	_ =	swait.ge [sflag:s29], $0x1  }
0xb7: {  	[sflag:s29] =	ssyncadd.s32 $0xFFFFFFFF  }
0xb8: {  	_ =	strace $0x90000048  }
0xb9: {  	_ =	sfence  }
0xba: {  	s30 =	sld [smem:$0x0];
	_ =	sdelay $0x2  }
0xbb: {  	s31 =	sshll.u32 s1, $0xD;
	s1 =	sshrl.u32 s1, $0x2  }
0xbc: {  	s3 =	sand.u32 $0x4000, s31;
	s1 =	sadd.s32 s1, s30  }
0xbd: {  	s0 =	sor.u32 s3, s0;
	s1 =	sshll.u32 s1, $0x11  }
0xbe: {  	s0 =	sor.u32 s1, s0  }
0xbf: {  	s0 =	sadd.s32 $0x8F2B, s0  }
0xc0: {  	[sflag:s0] =	ssyncadd.remote.s32 $0x1  }
0xc1: {  	_ =	sfence.sel $0xFFFF  }
0xc2: {  	[dreg:$0x0] =	wrdreg $0xFFFFFFFF;
	(pc) =	sbr.abs _section_cstart, $3  }
0xc3: {  	[dreg:$0x1] =	wrdreg $0xFFFFFFFF  }
0xc4: {  	_ =	task.clear_ibuf [dreg:s9], $0x2FFFF;
	_ =	strace $0x9FFFFFFF  }
0xc5: {  	(tm) =	ssettm $0x7FFFFFFF  }
tec
execute0_lowered:
.L_overlay_start_1:
0x0: {  	(tag) =	ssettag $0x1  }
0x1: {  	s0 =	srdreg.scid  }
0x2: {  	s3 =	stileid.u32;
	s0 =	sand.u32 $0x1, s0  }
0x3: {  	s1 =	sor.u32 s0, s3  }
0x4: {  	s7 =	rddreg [dreg:$0x0];
	p1 =	seq.s32 s0, $0x1;
	p0 =	seq.s32 s1, $0x0  }
0x5: {  	s25 =	rddreg [dreg:$0x1];
	p0 =	por !p0, !p1  }
0x6: {  	s2 =	simm.s32 $0x1;
	s4 =	simm.s32 $0x0;
	p0 =	por !p0, !p0  }
0x7: {  	[smem:$0x7FF] =	sst s4;
	s26 =	ssub.s32 $0x2, s0;
	s2 =	simm.s32 @!p0 $0x0  }
0x8: {  	_ =	strace $0x80000047;
	s5 =	sshrl.u32 s26, $0x1;
	s2 =	ssub.s32 s3, s2  }
0x9: {  	s0 =	sshll.u32 s0, $0xE;
	s3 =	ssub.s32 s26, s5;
	s28 =	sshll.u32 s2, $0x9  }
0xa: {  	s6 =	sshll.u32 s2, $0x7;
	s2 =	sshll.u32 s2, $0xF;
	s31 =	smax.u32 s3, $0x1  }
0xb: {  	s4 =	sand.u32 $0xFFFFF000, s28;
	s6 =	sand.u32 $0x380, s6;
	s5 =	sor.u32 s0, s2  }
0xc: {  	[smem:$0x7FC] =	sst s31;
	s4 =	sor.u32 s6, s4;
	s2 =	sshrl.u32 s5, $0x3  }
0xd: {  	[smem:$0x7FD] =	sst s5;
	s29 =	sshrl.u32 s4, $0x3;
	s30 =	sadd.s32 s7, s2  }
0xe: {  	s0 =	sadd.s32 s25, s29;
	[smem:$0x7FB] =	sst s30  }
0xf: {  	s2 =	simm.s32 $0x0;
	[smem:$0x7FA] =	sst s0  }
.LBB2_1:
0x10: {  	s1 =	sld [smem:$0x7FA]  }
0x11: {  	[smem:$0x7F9] =	sst s2;
	s0 =	simm.s32 $0x0  }
0x12: {  	s28 =	simm.s32 $0x80;
	s3 =	simm.s32 $0x400;
	s29 =	simm.s32 $0x3  }
0x13: {  	[tilespmem:s0], [sflag:$0x3] =	stream.strided.gather [hbm4b:s1+s28], $0x200, s3, s28, $0x38;
	[tilespmem:$0x10200] =	vst v63  }
0x14: {  	_ =	swait.ge [sflag:s29], $0x200  }
0x15: {  	s30 =	sld [smem:$0x7FB]  }
0x16: {  	[sflag:s29] =	ssyncset.done $0x0  }
0x17: {  	s31 =	simm.s32 $0x200;
	s4 =	simm.s32 $0x0;
	[sflag:s29] =	ssyncadd.s32 $0xFFFFFE00  }
0x18: {  	[tilespmem:s31], [sflag:$0x1] =	stream.linear.gather [hbm4b:s30+s0], $0x4000, $0x38;
	[tilespmem:$0x10200] =	vst v63  }
.LBB2_2:
0x19: {  	s0 =	sadd.s32 $0x1, s4;
	p0 =	seq.s32 s4, $0x1F  }
0x1a: {  	[smem:$0x7F4] =	sst s0;
	s0 =	sshll.u32 @!p0 s0, $0x13  }
0x1b: {  	s3 =	rddreg [dreg:$0x0];
	s1 =	sshll.u32 @!p0 s4, $0xE;
	s0 =	sadd.s32 @!p0 s5, s0  }
0x1c: {  	s7 =	simm.s32 $0x1;
	s1 =	sand.u32 @!p0 $0x4000, s1;
	s0 =	sshrl.u32 @!p0 s0, $0x3  }
0x1d: {  	s2 =	sxor.u32 @!p0 $0x4200, s1;
	s0 =	sadd.s32 @!p0 s3, s0;
	s3 =	simm.s32 @!p0 $0x0  }
0x1e: {  	[tilespmem:s2], [sflag:$0x1] =	stream.linear.gather @!p0 [hbm4b:s0+s3], $0x4000, $0x38;
	[tilespmem:$0x10200] =	vst v63  }
0x1f: {  	_ =	swait.ge [sflag:s7], $0x4000  }
0x20: {  	p1 =	slt.u32 s4, $0x2;
	s8 =	simm.s32 $0x0;
	[sflag:s7] =	ssyncset.done $0x0  }
0x21: {  	s2 =	simm.s32 @!p1 $0x2;
	[smem:$0x7F5] =	sst s4;
	[sflag:s7] =	ssyncadd.s32 $0xFFFFC000  }
0x22: {  	s0 =	sand.u32 $0x60, s8;
	_ =	swait.ge @!p1 [sflag:s2], $0x4000  }
0x23: {  	s3 =	sand.u32 $0x180, s8;
	s7 =	sor.u32 $0x10, s0;
	[sflag:s2] =	ssyncset.done @!p1 $0x0  }
0x24: {  	s10 =	sor.u32 s7, s3;
	[sflag:s2] =	ssyncadd.s32 @!p1 $0xFFFFC000  }
0x25: {  	v0 =	vld [tilespmem:s10+$0x0];
	_ =	sdelay $0x4  }
0x26: {  	v1 =	vshll.u32 v0, $0x3  }
0x27: {  	v0 =	vand.u32 $0x7F, v0;
	v1 =	vand.u32 $0xFFFFFC00, v1  }
0x28: {  	v0 =	vor.u32 v0, v1  }
0x29: {  	v1 =	vor.u32 $0x80, v0  }
0x2a: {  	s9 =	simm.s32 $0x0;
	v2 =	vor.u32 $0x100, v0  }
0x2b: {  	s12 =	simm.s32 $0x20;
	s1 =	simm.s32 @p0 $0x4000;
	v9 =	vld [tilespmem:s9+$0x0];
	v3 =	vor.u32 $0x180, v0  }
0x2c: {  	s18 =	sadd.s32 $0x200, s1;
	v26 =	vld [tilespmem:s12+$0x0];
	v4 =	vor.u32 $0x200, v0  }
0x2d: {  	v5 =	vor.u32 $0x280, v0;
	v10 =	vld.idx.msk [tilespmem:v0+s18+$0x0], $0xffff  }
0x2e: {  	v6 =	vor.u32 $0x300, v0;
	v1 =	vld.idx.msk [tilespmem:v1+s18+$0x0], $0xffff  }
0x2f: {  	v7 =	vadd.s32 $0x2080, v0;
	v12 =	vld.idx.msk [tilespmem:v2+s18+$0x0], $0xffff  }
0x30: {  	v17 =	vadd.s32 $0x2380, v0;
	v13 =	vld.idx.msk [tilespmem:v3+s18+$0x0], $0xffff  }
0x31: {  	v19 =	vadd.s32 $0x3000, v0;
	v15 =	vld.idx.msk [tilespmem:v4+s18+$0x0], $0xffff  }
0x32: {  	v4 =	vadd.s32 $0x1080, v0;
	v16 =	vld.idx.msk [tilespmem:v5+s18+$0x0], $0xffff  }
0x33: {  	v21 =	vadd.s32 $0x3080, v0;
	v18 =	vld.idx.msk [tilespmem:v6+s18+$0x0], $0xffff  }
0x34: {  	v3 =	vadd.s32 $0x1000, v0;
	v7 =	vld.idx.msk [tilespmem:v7+s18+$0x0], $0xffff  }
0x35: {  	v2 =	vor.u32 $0x380, v0;
	v37 =	vld.idx.msk [tilespmem:v17+s18+$0x0], $0xffff  }
0x36: {  	v6 =	vadd.s32 $0x1180, v0;
	v34 =	vld.idx.msk [tilespmem:v19+s18+$0x0], $0xffff  }
0x37: {  	v41 =	vld.idx.msk [tilespmem:v4+s18+$0x0], $0xffff;
	v4 =	vadd.s32 $0x1300, v0  }
0x38: {  	v5 =	vadd.s32 $0x1100, v0;
	v35 =	vld.idx.msk [tilespmem:v21+s18+$0x0], $0xffff  }
0x39: {  	v22 =	vld.idx.msk [tilespmem:v3+s18+$0x0], $0xffff;
	v3 =	vadd.s32 $0x1280, v0  }
0x3a: {  	v20 =	vld.idx.msk [tilespmem:v2+s18+$0x0], $0xffff;
	v2 =	vadd.s32 $0x1200, v0  }
0x3b: {  	v43 =	vld.idx.msk [tilespmem:v6+s18+$0x0], $0xffff;
	v6 =	vadd.s32 $0x2000, v0  }
0x3c: {  	v33 =	vld.idx.msk [tilespmem:v4+s18+$0x0], $0xffff;
	v4 =	vadd.s32 $0x2180, v0  }
0x3d: {  	v11 =	vadd.s32 $0x2280, v0;
	v42 =	vld.idx.msk [tilespmem:v5+s18+$0x0], $0xffff  }
0x3e: {  	v39 =	vld.idx.msk [tilespmem:v3+s18+$0x0], $0xffff;
	v3 =	vadd.s32 $0x2100, v0  }
0x3f: {  	v14 =	vadd.s32 $0x2300, v0;
	v40 =	vld.idx.msk [tilespmem:v2+s18+$0x0], $0xffff  }
0x40: {  	v5 =	vadd.s32 $0x1380, v0;
	v2 =	vld.idx.msk [tilespmem:v6+s18+$0x0], $0xffff  }
0x41: {  	v17 =	vadd.s32 $0x3200, v0;
	v6 =	vld.idx.msk [tilespmem:v4+s18+$0x0], $0xffff  }
0x42: {  	v4 =	vld.idx.msk [tilespmem:v11+s18+$0x0], $0xffff;
	v11 =	vadd.s32 $0x3100, v0  }
0x43: {  	v19 =	vadd.s32 $0x3280, v0;
	v8 =	vld.idx.msk [tilespmem:v3+s18+$0x0], $0xffff  }
0x44: {  	v3 =	vld.idx.msk [tilespmem:v14+s18+$0x0], $0xffff;
	v14 =	vadd.s32 $0x3180, v0  }
0x45: {  	v38 =	vld.idx.msk [tilespmem:v5+s18+$0x0], $0xffff;
	v5 =	vadd.s32 $0x2200, v0  }
0x46: {  	v23 =	vshll.u32 v9, $0x3;
	v21 =	vadd.s32 $0x3300, v0;
	v30 =	vld.idx.msk [tilespmem:v17+s18+$0x0], $0xffff  }
0x47: {  	v36 =	vld.idx.msk [tilespmem:v11+s18+$0x0], $0xffff;
	v11 =	vadd.s32 $0x3380, v0;
	v0 =	vand.u32 $0x7F, v9;
	v9 =	vand.u32 $0xFFFFFC00, v23  }
0x48: {  	v25 =	vld.idx.msk [tilespmem:v19+s18+$0x0], $0xffff;
	v44 =	vor.u32 v0, v9  }
0x49: {  	v31 =	vld.idx.msk [tilespmem:v14+s18+$0x0], $0xffff;
	v14 =	vor.u32 $0x80, v44  }
0x4a: {  	v5 =	vld.idx.msk [tilespmem:v5+s18+$0x0], $0xffff;
	v17 =	vor.u32 $0x100, v44  }
0x4b: {  	v0 =	vld.idx.msk [tilespmem:v21+s18+$0x0], $0xffff;
	v19 =	vor.u32 $0x180, v44  }
0x4c: {  	v21 =	vor.u32 $0x280, v44;
	v45 =	vld.idx.msk [tilespmem:v11+s18+$0x0], $0xffff  }
0x4d: {  	v32 =	vadd.s32 $0x1080, v44;
	v9 =	vld.idx.msk [tilespmem:v44+s18+$0x0], $0xffff  }
0x4e: {  	s11 =	simm.s32 $0x0;
	v48 =	vadd.s32 $0x1200, v44;
	v29 =	vld.idx.msk [tilespmem:v14+s18+$0x0], $0xffff  }
0x4f: {  	s13 =	sand.u32 $0xC00, s11;
	s9 =	sadd.s32 $0x8200, s1;
	v49 =	vadd.s32 $0x1280, v44;
	v28 =	vld.idx.msk [tilespmem:v17+s18+$0x0], $0xffff  }
0x50: {  	s4 =	sadd.s32 s13, s9;
	v50 =	vadd.s32 $0x1300, v44;
	v27 =	vld.idx.msk [tilespmem:v19+s18+$0x0], $0xffff  }
0x51: {  	s1 =	sadd.s32 s7, s4;
	v11 =	vor.u32 $0x200, v44;
	v21 =	vld.idx.msk [tilespmem:v21+s18+$0x0], $0xffff  }
0x52: {  	v24 =	vadd.s32 $0x1000, v44;
	[tilespmem:s1+$0x0] =	vst v10;
	v10 =	vld.idx.msk [tilespmem:v32+s18+$0x0], $0xffff  }
0x53: {  	v47 =	vadd.s32 $0x1180, v44;
	v32 =	vld.idx.msk [tilespmem:v48+s18+$0x0], $0xffff  }
0x54: {  	[tilespmem:s1+$0x80] =	vst v1;
	v14 =	vor.u32 $0x300, v44;
	v1 =	vld.idx.msk [tilespmem:v49+s18+$0x0], $0xffff  }
0x55: {  	[tilespmem:s1+$0x100] =	vst v12;
	v17 =	vor.u32 $0x380, v44;
	v12 =	vld.idx.msk [tilespmem:v50+s18+$0x0], $0xffff  }
0x56: {  	v46 =	vadd.s32 $0x1100, v44;
	v23 =	vld.idx.msk [tilespmem:v11+s18+$0x0], $0xffff  }
0x57: {  	s14 =	sand.u32 $0x3, s11;
	v51 =	vmov s9;
	v11 =	vld.idx.msk [tilespmem:v24+s18+$0x0], $0xffff  }
0x58: {  	s2 =	sshll.u32 s14, $0x5;
	v60 =	vadd.s32 $0x1380, v44;
	[tilespmem:s1+$0x180] =	vst v13;
	v24 =	vld.idx.msk [tilespmem:v47+s18+$0x0], $0xffff  }
0x59: {  	s3 =	sadd.s32 $0x0, s2;
	v61 =	vadd.s32 $0x2000, v44;
	[tilespmem:s1+$0x200] =	vst v15;
	v19 =	vld.idx.msk [tilespmem:v14+s18+$0x0], $0xffff  }
0x5a: {  	s15 =	sadd.s32 $0x10, s3;
	s17 =	sadd.s32 $0x3380, s4;
	[tilespmem:s1+$0x280] =	vst v16;
	v17 =	vld.idx.msk [tilespmem:v17+s18+$0x0], $0xffff  }
0x5b: {  	s16 =	sor.u32 $0x300, s15;
	v62 =	vadd.s32 $0x2080, v44;
	v14 =	vld.idx.msk [tilespmem:v46+s18+$0x0], $0xffff;
	[smem:$0x7F7] =	sst s17  }
0x5c: {  	s19 =	sor.u32 $0x380, s15;
	v63 =	vadd.s32 $0x2100, v44;
	[tilespmem:v51+s16+$0x0 ss:$0x1] =	vst.idx.msk $0xffff, v18  }
0x5d: {  	s11 =	sadd.s32 $0x1100, s4;
	v52 =	vadd.s32 $0x2180, v44;
	v13 =	vld.idx.msk [tilespmem:v60+s18+$0x0], $0xffff;
	[tilespmem:v51+s19+$0x0 ss:$0x1] =	vst.idx.msk $0xffff, v20  }
0x5e: {  	s8 =	sadd.s32 $0x1000, s4;
	s20 =	sadd.s32 s7, s17;
	v57 =	vadd.s32 $0x3000, v44;
	v15 =	vld.idx.msk [tilespmem:v61+s18+$0x0], $0xffff;
	[smem:$0x7F6] =	sst s11  }
0x5f: {  	s22 =	simm.s32 $0x20;
	s5 =	sadd.s32 $0x1080, s4;
	s21 =	sadd.s32 s7, s8;
	[tilespmem:s20+$0x0] =	vst v45  }
0x60: {  	s24 =	sand.u32 $0x180, s22;
	s10 =	sadd.s32 s7, s5;
	v53 =	vadd.s32 $0x2200, v44;
	v16 =	vld.idx.msk [tilespmem:v62+s18+$0x0], $0xffff;
	[tilespmem:s21+$0x0] =	vst v22  }
0x61: {  	s6 =	sadd.s32 $0x1180, s4;
	s23 =	sadd.s32 s7, s11;
	v55 =	vadd.s32 $0x2300, v44;
	s20 =	sand.u32 $0x60, s22;
	v18 =	vld.idx.msk [tilespmem:v63+s18+$0x0], $0xffff;
	[tilespmem:s10+$0x0] =	vst v41  }
0x62: {  	s12 =	sadd.s32 s7, s6;
	v54 =	vadd.s32 $0x2280, v44;
	v20 =	vld.idx.msk [tilespmem:v52+s18+$0x0], $0xffff;
	s21 =	sor.u32 $0x10, s20;
	s10 =	sadd.s32 $0x1200, s4;
	[tilespmem:s23+$0x0] =	vst v42  }
0x63: {  	v56 =	vadd.s32 $0x2380, v44;
	s11 =	sadd.s32 $0x1280, s4;
	v47 =	vld.idx.msk [tilespmem:v57+s18+$0x0], $0xffff;
	s25 =	sor.u32 s21, s24;
	s13 =	sadd.s32 s7, s10;
	[tilespmem:s12+$0x0] =	vst v43  }
0x64: {  	v59 =	vadd.s32 $0x3080, v44;
	s26 =	sadd.s32 s7, s11;
	v58 =	vld [tilespmem:s25+$0x0];
	s12 =	sadd.s32 $0x1300, s4;
	[tilespmem:s13+$0x0] =	vst v40  }
0x65: {  	v60 =	vadd.s32 $0x3100, v44;
	v22 =	vld.idx.msk [tilespmem:v53+s18+$0x0], $0xffff;
	s13 =	sadd.s32 $0x1380, s4;
	s15 =	sadd.s32 s7, s12;
	[tilespmem:s26+$0x0] =	vst v39  }
0x66: {  	s14 =	sadd.s32 $0x2000, s4;
	v61 =	vadd.s32 $0x3180, v44;
	v42 =	vld.idx.msk [tilespmem:v55+s18+$0x0], $0xffff;
	s28 =	sadd.s32 s7, s13;
	[tilespmem:s15+$0x0] =	vst v33  }
0x67: {  	s17 =	sadd.s32 s7, s14;
	v62 =	vadd.s32 $0x3200, v44;
	v43 =	vld.idx.msk [tilespmem:v54+s18+$0x0], $0xffff;
	s15 =	sadd.s32 $0x2080, s4;
	[tilespmem:s28+$0x0] =	vst v38  }
0x68: {  	s16 =	sadd.s32 $0x2100, s4;
	v63 =	vadd.s32 $0x3280, v44;
	v33 =	vld.idx.msk [tilespmem:v56+s18+$0x0], $0xffff;
	s29 =	sadd.s32 s7, s15;
	[tilespmem:s17+$0x0] =	vst v2  }
0x69: {  	s22 =	sadd.s32 s7, s16;
	v53 =	vadd.s32 $0x3300, v44;
	v52 =	vshll.u32 v58, $0x3;
	v2 =	vld.idx.msk [tilespmem:v59+s18+$0x0], $0xffff;
	s17 =	sadd.s32 $0x2180, s4;
	[tilespmem:s29+$0x0] =	vst v7  }
0x6a: {  	s19 =	sadd.s32 $0x2200, s4;
	v54 =	vadd.s32 $0x3380, v44;
	v48 =	vand.u32 $0x7F, v58;
	v45 =	vand.u32 $0xFFFFFC00, v52;
	v7 =	vld.idx.msk [tilespmem:v60+s18+$0x0], $0xffff;
	s2 =	sadd.s32 s7, s17;
	[tilespmem:s22+$0x0] =	vst v8  }
0x6b: {  	s23 =	sadd.s32 $0x2280, s4;
	v45 =	vor.u32 v48, v45;
	v8 =	vld.idx.msk [tilespmem:v61+s18+$0x0], $0xffff;
	s22 =	sadd.s32 s7, s19;
	[tilespmem:s2+$0x0] =	vst v6  }
0x6c: {  	s24 =	sadd.s32 s7, s23;
	v58 =	vor.u32 $0x200, v45;
	v6 =	vld.idx.msk [tilespmem:v62+s18+$0x0], $0xffff;
	[tilespmem:s22+$0x0] =	vst v5;
	s22 =	sadd.s32 $0x2300, s4  }
0x6d: {  	v59 =	vor.u32 $0x280, v45;
	v5 =	vld.idx.msk [tilespmem:v63+s18+$0x0], $0xffff;
	[tilespmem:s24+$0x0] =	vst v4;
	s24 =	sadd.s32 $0x2380, s4;
	s25 =	sadd.s32 s7, s22  }
0x6e: {  	v60 =	vor.u32 $0x300, v45;
	v4 =	vld.idx.msk [tilespmem:v53+s18+$0x0], $0xffff;
	[tilespmem:s25+$0x0] =	vst v3;
	s25 =	sadd.s32 $0x3000, s4;
	s26 =	sadd.s32 s7, s24  }
0x6f: {  	v61 =	vor.u32 $0x380, v45;
	v3 =	vld.idx.msk [tilespmem:v54+s18+$0x0], $0xffff;
	[tilespmem:s26+$0x0] =	vst v37;
	s26 =	sadd.s32 $0x3080, s4;
	s28 =	sadd.s32 s7, s25  }
0x70: {  	v55 =	vor.u32 $0x80, v45;
	v44 =	vld.idx.msk [tilespmem:v45+s18+$0x0], $0xffff;
	[tilespmem:s28+$0x0] =	vst v34;
	s28 =	sadd.s32 $0x3100, s4;
	s29 =	sadd.s32 s7, s26  }
0x71: {  	s30 =	sadd.s32 $0x3200, s4;
	s31 =	sadd.s32 $0x3280, s4;
	v56 =	vor.u32 $0x100, v45;
	v38 =	vld.idx.msk [tilespmem:v58+s18+$0x0], $0xffff;
	[tilespmem:s29+$0x0] =	vst v35;
	s2 =	sadd.s32 s7, s28  }
0x72: {  	s1 =	sadd.s32 $0x3300, s4;
	v57 =	vor.u32 $0x180, v45;
	v39 =	vld.idx.msk [tilespmem:v59+s18+$0x0], $0xffff;
	s29 =	sadd.s32 $0x3180, s4;
	s4 =	sadd.s32 s0, s4;
	[tilespmem:s2+$0x0] =	vst v36  }
0x73: {  	v63 =	vadd.s32 $0x1100, v45;
	v40 =	vld.idx.msk [tilespmem:v60+s18+$0x0], $0xffff;
	[tilespmem:s4+$0x80] =	vst v29  }
0x74: {  	v53 =	vadd.s32 $0x1300, v45;
	v37 =	vld.idx.msk [tilespmem:v61+s18+$0x0], $0xffff;
	s2 =	sadd.s32 s7, s29;
	[tilespmem:s4+$0x100] =	vst v28  }
0x75: {  	v48 =	vadd.s32 $0x1000, v45;
	v34 =	vld.idx.msk [tilespmem:v55+s18+$0x0], $0xffff;
	[tilespmem:s2+$0x0] =	vst v31;
	s2 =	sadd.s32 s7, s30  }
0x76: {  	v62 =	vadd.s32 $0x1080, v45;
	v35 =	vld.idx.msk [tilespmem:v56+s18+$0x0], $0xffff;
	[tilespmem:s2+$0x0] =	vst v30;
	s2 =	sadd.s32 s7, s31  }
0x77: {  	v36 =	vld.idx.msk [tilespmem:v57+s18+$0x0], $0xffff;
	[tilespmem:s2+$0x0] =	vst v25;
	v25 =	vadd.s32 $0x1180, v45  }
0x78: {  	v52 =	vadd.s32 $0x1280, v45;
	v29 =	vld.idx.msk [tilespmem:v63+s18+$0x0], $0xffff;
	[tilespmem:s4+$0x200] =	vst v23;
	s7 =	sadd.s32 s7, s1  }
0x79: {  	v23 =	vld.idx.msk [tilespmem:v53+s18+$0x0], $0xffff;
	[tilespmem:s7+$0x0] =	vst v0;
	v0 =	vadd.s32 $0x1200, v45  }
0x7a: {  	[tilespmem:s4+$0x180] =	vst v27;
	v31 =	vld.idx.msk [tilespmem:v48+s18+$0x0], $0xffff  }
0x7b: {  	[tilespmem:s4+$0x280] =	vst v21;
	v30 =	vld.idx.msk [tilespmem:v62+s18+$0x0], $0xffff  }
0x7c: {  	s3 =	sor.u32 $0x300, s3;
	[tilespmem:s4+$0x0] =	vst v9;
	s7 =	simm.s32 $0x0;
	v28 =	vld.idx.msk [tilespmem:v25+s18+$0x0], $0xffff  }
0x7d: {  	[tilespmem:v51+s3+$0x0 ss:$0x1] =	vst.idx.msk $0xffff, v19;
	s2 =	sor.u32 s7, s7;
	v25 =	vld.idx.msk [tilespmem:v52+s18+$0x0], $0xffff  }
0x7e: {  	s2 =	sor.u32 $0x380, s2;
	v27 =	vld.idx.msk [tilespmem:v0+s18+$0x0], $0xffff;
	[tilespmem:$0x1FFF0] =	vst v51  }
0x7f: {  	v54 =	vadd.s32 $0x1380, v45;
	s4 =	sadd.s32 s0, s8;
	[tilespmem:v51+s2+$0x0 ss:$0x1] =	vst.idx.msk $0xffff, v17  }
0x80: {  	v55 =	vadd.s32 $0x2000, v45;
	s7 =	sadd.s32 s0, s5;
	[tilespmem:s4+$0x0] =	vst v11  }
0x81: {  	v0 =	vadd.s32 $0x2080, v45;
	[tilespmem:s7+$0x0] =	vst v10  }
0x82: {  	v9 =	vadd.s32 $0x2100, v45;
	s2 =	sld [smem:$0x7F6]  }
0x83: {  	v57 =	vadd.s32 $0x2200, v45  }
0x84: {  	v56 =	vadd.s32 $0x2180, v45;
	v21 =	vld.idx.msk [tilespmem:v54+s18+$0x0], $0xffff  }
0x85: {  	v58 =	vadd.s32 $0x2280, v45;
	v19 =	vld.idx.msk [tilespmem:v55+s18+$0x0], $0xffff;
	s2 =	sadd.s32 s0, s2  }
0x86: {  	s8 =	sadd.s32 s0, s6;
	v17 =	vld.idx.msk [tilespmem:v0+s18+$0x0], $0xffff;
	v0 =	vadd.s32 $0x2300, v45;
	[tilespmem:s2+$0x0] =	vst v14  }
0x87: {  	s10 =	sadd.s32 s0, s10;
	v59 =	vadd.s32 $0x2380, v45;
	v9 =	vld.idx.msk [tilespmem:v9+s18+$0x0], $0xffff;
	[tilespmem:s8+$0x0] =	vst v24  }
0x88: {  	s11 =	sadd.s32 s0, s11;
	v11 =	vld.idx.msk [tilespmem:v57+s18+$0x0], $0xffff;
	v24 =	vadd.s32 $0x3000, v45;
	[tilespmem:s10+$0x0] =	vst v32  }
0x89: {  	v60 =	vadd.s32 $0x3080, v45;
	s3 =	sadd.s32 s0, s12;
	v10 =	vld.idx.msk [tilespmem:v56+s18+$0x0], $0xffff;
	[tilespmem:s11+$0x0] =	vst v1  }
0x8a: {  	s4 =	sadd.s32 s0, s13;
	v14 =	vld.idx.msk [tilespmem:v58+s18+$0x0], $0xffff;
	[tilespmem:s3+$0x0] =	vst v12  }
0x8b: {  	s5 =	sadd.s32 s0, s14;
	v12 =	vld.idx.msk [tilespmem:v0+s18+$0x0], $0xffff;
	[tilespmem:s4+$0x0] =	vst v13  }
0x8c: {  	s6 =	sadd.s32 s0, s15;
	v13 =	vld.idx.msk [tilespmem:v59+s18+$0x0], $0xffff;
	[tilespmem:s5+$0x0] =	vst v15  }
0x8d: {  	s15 =	sadd.s32 s0, s25;
	v1 =	vadd.s32 $0x3100, v45;
	v15 =	vld.idx.msk [tilespmem:v24+s18+$0x0], $0xffff;
	[tilespmem:s6+$0x0] =	vst v16  }
0x8e: {  	s7 =	sadd.s32 s0, s16;
	s16 =	sadd.s32 s0, s26;
	v16 =	vld.idx.msk [tilespmem:v60+s18+$0x0], $0xffff;
	[dreg:$0xd] =	wrdreg s15  }
0x8f: {  	s8 =	sadd.s32 s0, s17;
	s17 =	sadd.s32 s0, s28;
	[dreg:$0xb] =	wrdreg s16  }
0x90: {  	[dreg:$0xa] =	wrdreg s17  }
0x91: {  	s10 =	sadd.s32 s0, s19;
	s19 =	sadd.s32 s0, s29;
	[tilespmem:s7+$0x0] =	vst v18  }
0x92: {  	s12 =	sadd.s32 s0, s22;
	s22 =	sadd.s32 s0, s30;
	v18 =	vld.idx.msk [tilespmem:v1+s18+$0x0], $0xffff;
	[dreg:$0x9] =	wrdreg s19  }
0x93: {  	s11 =	sadd.s32 s0, s23;
	s23 =	sadd.s32 s0, s31;
	[dreg:$0x8] =	wrdreg s22  }
0x94: {  	v0 =	vadd.s32 $0x3180, v45;
	[dreg:$0x7] =	wrdreg s23  }
0x95: {  	[tilespmem:s8+$0x0] =	vst v20  }
0x96: {  	s14 =	sadd.s32 s0, s24;
	s24 =	sld [smem:$0x7F7]  }
0x97: {  	v61 =	vadd.s32 $0x3200, v45  }
0x98: {  	s1 =	sadd.s32 s0, s1  }
0x99: {  	v24 =	vadd.s32 $0x3280, v45;
	v20 =	vld.idx.msk [tilespmem:v0+s18+$0x0], $0xffff;
	[dreg:$0x6] =	wrdreg s1;
	s0 =	sadd.s32 s0, s24  }
0x9a: {  	v62 =	vadd.s32 $0x3300, v45;
	[dreg:$0x5] =	wrdreg s0  }
0x9b: {  	s26 =	simm.s32 $0x20;
	v1 =	vadd.s32 $0x3380, v45;
	[tilespmem:s10+$0x0] =	vst v22  }
0x9c: {  	s6 =	simm.s32 $0x100;
	v22 =	vld.idx.msk [tilespmem:v61+s18+$0x0], $0xffff;
	[smem:$0x7F8] =	sst s26  }
0x9d: {  	s28 =	simm.s32 $0x20;
	s25 =	sand.u32 $0xC00, s6;
	[tilespmem:s11+$0x0] =	vst v43  }
0x9e: {  	s29 =	sor.u32 s6, s28;
	s13 =	sadd.s32 s25, s9;
	v0 =	vshll.u32 v26, $0x3;
	v24 =	vld.idx.msk [tilespmem:v24+s18+$0x0], $0xffff;
	[dreg:$0x4] =	wrdreg s9  }
0x9f: {  	v63 =	vand.u32 $0x7F, v26;
	s4 =	simm.s32 $0x2;
	s31 =	sor.u32 $0x380, s29;
	s2 =	sadd.s32 s21, s13;
	v0 =	vand.u32 $0xFFFFFC00, v0;
	[tilespmem:s12+$0x0] =	vst v42;
	v26 =	vld.idx.msk [tilespmem:v62+s18+$0x0], $0xffff  }
0xa0: {  	s30 =	sadd.s32 $0x1080, s13;
	s5 =	sadd.s32 $0x1100, s13;
	s1 =	simm.s32 $0x1;
	v32 =	vor.u32 v63, v0;
	v48 =	vld.idx.msk [tilespmem:v1+s18+$0x0], $0xffff;
	[tilespmem:s2+$0x0] =	vst v44  }
0xa1: {  	v45 =	vor.u32 $0x180, v32;
	s0 =	simm.s32 $0x40;
	v43 =	vor.u32 $0x100, v32;
	s11 =	sadd.s32 $0x1180, s13;
	s12 =	sadd.s32 $0x1000, s13;
	v42 =	vor.u32 $0x80, v32;
	[tilespmem:s14+$0x0] =	vst v33  }
.LBB2_3:
0xa2: {  	[smem:$0x7F1] =	sst s6  }
0xa3: {  	[dreg:$0x1f] =	wrdreg s31  }
0xa4: {  	[dreg:$0xf] =	wrdreg s1  }
0xa5: {  	[dreg:$0xe] =	wrdreg s0;
	v1 =	vld.idx.msk [tilespmem:v32+s18+$0x0], $0xffff  }
0xa6: {  	[dreg:$0xc] =	wrdreg s4;
	v41 =	vld [tilespmem:$0x1FFF0]  }
0xa7: {  	s31 =	sadd.s32 $0x1280, s13;
	s3 =	sadd.s32 $0x2080, s13;
	s28 =	rddreg [dreg:$0xf]  }
0xa8: {  	[tilespmem:s2+$0x80] =	vst v34;
	s15 =	sadd.s32 $0x2200, s13;
	[smem:$0x7ED] =	sst s3;
	s29 =	sand.u32 $0x3, s28  }
0xa9: {  	v0 =	vor.u32 $0x200, v32;
	[tilespmem:s2+$0x100] =	vst v35;
	s14 =	sadd.s32 $0x2380, s13;
	[smem:$0x7EE] =	sst s15;
	s1 =	sshll.u32 s29, $0x5  }
0xaa: {  	v33 =	vld [tilespmem:s0+$0x0];
	v60 =	vor.u32 $0x300, v32;
	[tilespmem:s2+$0x180] =	vst v36;
	s7 =	sadd.s32 $0x3000, s13;
	[smem:$0x7EF] =	sst s14;
	s9 =	sadd.s32 s1, s6  }
0xab: {  	v59 =	vld.idx.msk [tilespmem:v42+s18+$0x0], $0xffff;
	[smem:$0x7F0] =	sst s7;
	[tilespmem:$0x1FFE0] =	vst v1;
	v1 =	vor.u32 $0x280, v32;
	s10 =	sadd.s32 $0x10, s9;
	s9 =	sor.u32 $0x300, s9  }
0xac: {  	v43 =	vld.idx.msk [tilespmem:v43+s18+$0x0], $0xffff;
	v61 =	vor.u32 $0x380, v32;
	[tilespmem:s2+$0x200] =	vst v38;
	s0 =	sor.u32 $0x300, s10;
	s1 =	sor.u32 $0x380, s10;
	s10 =	rddreg [dreg:$0xd]  }
0xad: {  	v44 =	vld.idx.msk [tilespmem:v45+s18+$0x0], $0xffff;
	[tilespmem:s2+$0x280] =	vst v39;
	s8 =	sadd.s32 $0x3380, s13;
	[smem:$0x7F2] =	sst s9;
	s9 =	sadd.s32 s20, s30  }
0xae: {  	s28 =	sadd.s32 $0x1200, s13;
	v45 =	vld.idx.msk [tilespmem:v0+s18+$0x0], $0xffff;
	[dreg:$0x1d] =	wrdreg s9;
	s9 =	sadd.s32 s20, s5;
	[tilespmem:v41+s0+$0x0 ss:$0x1] =	vst.idx.msk $0xffff, v40  }
0xaf: {  	s22 =	sadd.s32 s21, s8;
	v46 =	vld.idx.msk [tilespmem:v60+s18+$0x0], $0xffff;
	[dreg:$0x1e] =	wrdreg s9;
	s9 =	sadd.s32 s20, s28;
	[tilespmem:v41+s1+$0x0 ss:$0x1] =	vst.idx.msk $0xffff, v37  }
0xb0: {  	[dreg:$0x1a] =	wrdreg s9;
	s9 =	sadd.s32 s20, s31;
	v42 =	vld.idx.msk [tilespmem:v1+s18+$0x0], $0xffff;
	[tilespmem:s22+$0x0] =	vst v48  }
0xb1: {  	v62 =	vadd.s32 $0x1000, v32;
	s0 =	sadd.s32 s21, s12;
	v48 =	vld.idx.msk [tilespmem:v61+s18+$0x0], $0xffff;
	[tilespmem:s10+$0x0] =	vst v47;
	[dreg:$0x1b] =	wrdreg s9  }
0xb2: {  	s10 =	sadd.s32 s20, s12;
	[tilespmem:s0+$0x0] =	vst v31;
	s0 =	sld [smem:$0x7F8]  }
0xb3: {  	s23 =	sadd.s32 $0x1300, s13;
	[smem:$0x7F3] =	sst s10  }
0xb4: {  	v0 =	vadd.s32 $0x1080, v32;
	s9 =	sadd.s32 s20, s23;
	s10 =	rddreg [dreg:$0xb]  }
0xb5: {  	s4 =	smov.u32 s11;
	[dreg:$0x19] =	wrdreg s9  }
0xb6: {  	v1 =	vadd.s32 $0x1100, v32;
	v49 =	vld.idx.msk [tilespmem:v62+s18+$0x0], $0xffff;
	s9 =	rddreg [dreg:$0x9];
	[tilespmem:s10+$0x0] =	vst v2;
	s10 =	sadd.s32 s20, s4  }
0xb7: {  	[dreg:$0x1c] =	wrdreg s10  }
0xb8: {  	s16 =	sadd.s32 $0x1380, s13;
	s10 =	smov.u32 s28;
	s28 =	rddreg [dreg:$0xa]  }
0xb9: {  	v50 =	vld.idx.msk [tilespmem:v0+s18+$0x0], $0xffff;
	[tilespmem:s28+$0x0] =	vst v7;
	s28 =	smov.u32 s31;
	s31 =	smov.u32 s23;
	s23 =	sadd.s32 s20, s16  }
0xba: {  	s17 =	sadd.s32 $0x2000, s13;
	[dreg:$0x17] =	wrdreg s23  }
0xbb: {  	v63 =	vadd.s32 $0x1180, v32;
	v51 =	vld.idx.msk [tilespmem:v1+s18+$0x0], $0xffff;
	[tilespmem:s9+$0x0] =	vst v8;
	s23 =	sadd.s32 s20, s17;
	s9 =	sadd.s32 s20, s3;
	s3 =	rddreg [dreg:$0x8]  }
0xbc: {  	s6 =	sadd.s32 $0x2180, s13;
	[dreg:$0x18] =	wrdreg s23  }
0xbd: {  	s24 =	sadd.s32 $0x2100, s13;
	s12 =	sadd.s32 s21, s6;
	[dreg:$0x16] =	wrdreg s9  }
0xbe: {  	s23 =	sadd.s32 s20, s24;
	s9 =	sadd.s32 s20, s6;
	s6 =	sld [smem:$0x7EE]  }
0xbf: {  	s25 =	sadd.s32 $0x2280, s13;
	[dreg:$0x14] =	wrdreg s23  }
0xc0: {  	v52 =	vld.idx.msk [tilespmem:v63+s18+$0x0], $0xffff;
	[tilespmem:s3+$0x0] =	vst v6;
	s3 =	sadd.s32 s20, s25;
	[dreg:$0x15] =	wrdreg s9  }
0xc1: {  	[dreg:$0x12] =	wrdreg s3  }
0xc2: {  	s11 =	sadd.s32 $0x2300, s13;
	v40 =	vadd.s32 $0x1200, v32;
	s23 =	sadd.s32 s20, s15;
	s9 =	rddreg [dreg:$0x7]  }
0xc3: {  	s1 =	sadd.s32 $0x3080, s13;
	s3 =	sadd.s32 s20, s14;
	[dreg:$0x13] =	wrdreg s23  }
0xc4: {  	s15 =	smov.u32 s25;
	s25 =	smov.u32 s11;
	[dreg:$0x10] =	wrdreg s3  }
0xc5: {  	s14 =	sadd.s32 s20, s1;
	s23 =	sadd.s32 s20, s11;
	s11 =	rddreg [dreg:$0x6]  }
0xc6: {  	s19 =	sadd.s32 $0x3180, s13;
	s2 =	sadd.s32 $0x3200, s13;
	v56 =	vadd.s32 $0x1280, v32;
	[dreg:$0xb] =	wrdreg s14  }
0xc7: {  	s26 =	sadd.s32 $0x3300, s13;
	v0 =	vadd.s32 $0x1300, v32;
	v53 =	vld.idx.msk [tilespmem:v40+s18+$0x0], $0xffff;
	[tilespmem:s9+$0x0] =	vst v5;
	s9 =	sadd.s32 s20, s7;
	s7 =	rddreg [dreg:$0x5]  }
0xc8: {  	s29 =	sadd.s32 $0x3100, s13;
	s22 =	sadd.s32 $0x3280, s13;
	v1 =	vadd.s32 $0x1380, v32;
	[dreg:$0x11] =	wrdreg s23  }
0xc9: {  	v2 =	vadd.s32 $0x2000, v32;
	s3 =	sadd.s32 s20, s19;
	s14 =	sadd.s32 s20, s26;
	[dreg:$0xd] =	wrdreg s9  }
0xca: {  	v6 =	vadd.s32 $0x2080, v32;
	s23 =	sadd.s32 s20, s29;
	[dreg:$0x9] =	wrdreg s3;
	s9 =	sadd.s32 s20, s2  }
0xcb: {  	v5 =	vadd.s32 $0x2100, v32;
	v54 =	vld.idx.msk [tilespmem:v56+s18+$0x0], $0xffff;
	[tilespmem:s11+$0x0] =	vst v4;
	s11 =	sadd.s32 s20, s22;
	[dreg:$0x6] =	wrdreg s14;
	s3 =	sadd.s32 s21, s5  }
0xcc: {  	s5 =	sadd.s32 s21, s4;
	v55 =	vld.idx.msk [tilespmem:v0+s18+$0x0], $0xffff;
	[dreg:$0xa] =	wrdreg s23;
	[tilespmem:s7+$0x0] =	vst v3;
	s7 =	smov.u32 s2  }
0xcd: {  	[tilespmem:$0x1FFD0] =	vst v59;
	[dreg:$0x7] =	wrdreg s11;
	s23 =	sadd.s32 s20, s8;
	s11 =	sadd.s32 $0x20, s0;
	v56 =	vld.idx.msk [tilespmem:v1+s18+$0x0], $0xffff  }
0xce: {  	v0 =	vadd.s32 $0x2180, v32;
	s2 =	sadd.s32 s21, s30;
	[tilespmem:s3+$0x0] =	vst v29;
	v57 =	vld.idx.msk [tilespmem:v2+s18+$0x0], $0xffff;
	[dreg:$0x5] =	wrdreg s23;
	s14 =	sand.u32 $0x60, s11  }
0xcf: {  	v1 =	vadd.s32 $0x2200, v32;
	v58 =	vld.idx.msk [tilespmem:v6+s18+$0x0], $0xffff;
	[tilespmem:s2+$0x0] =	vst v30;
	s2 =	sadd.s32 s21, s10;
	s10 =	sand.u32 $0x180, s11;
	s23 =	sor.u32 $0x10, s14  }
0xd0: {  	v3 =	vadd.s32 $0x2300, v32;
	[tilespmem:s5+$0x0] =	vst v28;
	v59 =	vld.idx.msk [tilespmem:v5+s18+$0x0], $0xffff;
	s0 =	sor.u32 s23, s10  }
0xd1: {  	s5 =	sadd.s32 s21, s6;
	s6 =	sadd.s32 s21, s15;
	v2 =	vadd.s32 $0x2280, v32;
	v4 =	vld [tilespmem:s0+$0x0]  }
0xd2: {  	v5 =	vadd.s32 $0x3080, v32;
	[tilespmem:s6+$0x0] =	vst v14;
	v14 =	vld [tilespmem:$0x1FFD0]  }
0xd3: {  	v60 =	vld.idx.msk [tilespmem:v0+s18+$0x0], $0xffff;
	v0 =	vadd.s32 $0x2380, v32  }
0xd4: {  	s4 =	sadd.s32 s21, s28;
	[tilespmem:s2+$0x0] =	vst v27;
	v61 =	vld.idx.msk [tilespmem:v1+s18+$0x0], $0xffff;
	v1 =	vadd.s32 $0x3000, v32  }
0xd5: {  	s28 =	sadd.s32 s21, s31;
	v6 =	vadd.s32 $0x3100, v32;
	[tilespmem:s4+$0x0] =	vst v25;
	v63 =	vld.idx.msk [tilespmem:v3+s18+$0x0], $0xffff  }
0xd6: {  	s8 =	sadd.s32 s21, s16;
	s2 =	sld [smem:$0x7ED];
	[tilespmem:s28+$0x0] =	vst v23;
	v3 =	vadd.s32 $0x3180, v32;
	v62 =	vld.idx.msk [tilespmem:v2+s18+$0x0], $0xffff  }
0xd7: {  	s3 =	sadd.s32 s21, s17;
	v23 =	vadd.s32 $0x3200, v32;
	[tilespmem:s8+$0x0] =	vst v21;
	v2 =	vld.idx.msk [tilespmem:v5+s18+$0x0], $0xffff  }
0xd8: {  	[dreg:$0x8] =	wrdreg s9;
	s9 =	sadd.s32 s21, s24;
	[tilespmem:s3+$0x0] =	vst v19;
	v19 =	vadd.s32 $0x3300, v32;
	v7 =	vshll.u32 v4, $0x3;
	v0 =	vld.idx.msk [tilespmem:v0+s18+$0x0], $0xffff  }
0xd9: {  	[tilespmem:s9+$0x0] =	vst v9;
	s0 =	sadd.s32 s21, s2;
	v4 =	vand.u32 $0x7F, v4;
	v5 =	vand.u32 $0xFFFFFC00, v7;
	v47 =	vld.idx.msk [tilespmem:v1+s18+$0x0], $0xffff;
	v1 =	vadd.s32 $0x3280, v32  }
0xda: {  	s10 =	sld [smem:$0x7EF];
	[tilespmem:s0+$0x0] =	vst v17;
	v17 =	vadd.s32 $0x3380, v32;
	v7 =	vld.idx.msk [tilespmem:v6+s18+$0x0], $0xffff;
	v32 =	vor.u32 v4, v5  }
0xdb: {  	s28 =	sld [smem:$0x7F0];
	[tilespmem:s12+$0x0] =	vst v10;
	v8 =	vld.idx.msk [tilespmem:v3+s18+$0x0], $0xffff  }
0xdc: {  	s15 =	sadd.s32 s21, s25;
	[tilespmem:s5+$0x0] =	vst v11;
	v6 =	vld.idx.msk [tilespmem:v23+s18+$0x0], $0xffff  }
0xdd: {  	[tilespmem:s15+$0x0] =	vst v12;
	s16 =	sadd.s32 s21, s10;
	v4 =	vld.idx.msk [tilespmem:v19+s18+$0x0], $0xffff  }
0xde: {  	s10 =	sadd.s32 s21, s28;
	[tilespmem:s16+$0x0] =	vst v13;
	v5 =	vld.idx.msk [tilespmem:v1+s18+$0x0], $0xffff  }
0xdf: {  	s17 =	sadd.s32 s21, s1;
	s1 =	sadd.s32 s21, s19;
	s19 =	sadd.s32 s20, s13;
	v9 =	vor.u32 $0x80, v32;
	v1 =	vld.idx.msk [tilespmem:v32+s18+$0x0], $0xffff;
	[tilespmem:s10+$0x0] =	vst v15  }
0xe0: {  	v10 =	vor.u32 $0x100, v32;
	v3 =	vld.idx.msk [tilespmem:v17+s18+$0x0], $0xffff;
	[tilespmem:s19+$0x80] =	vst v14  }
0xe1: {  	v11 =	vor.u32 $0x180, v32;
	[tilespmem:s19+$0x100] =	vst v43  }
0xe2: {  	v12 =	vor.u32 $0x200, v32;
	[tilespmem:s19+$0x180] =	vst v44  }
0xe3: {  	v13 =	vor.u32 $0x280, v32;
	[tilespmem:s19+$0x200] =	vst v45;
	v14 =	vld [tilespmem:$0x1FFE0]  }
0xe4: {  	s29 =	sadd.s32 s21, s29;
	v34 =	vld.idx.msk [tilespmem:v9+s18+$0x0], $0xffff;
	[tilespmem:s17+$0x0] =	vst v16  }
0xe5: {  	v9 =	vor.u32 $0x300, v32;
	v35 =	vld.idx.msk [tilespmem:v10+s18+$0x0], $0xffff;
	[tilespmem:s29+$0x0] =	vst v18  }
0xe6: {  	s7 =	sadd.s32 s21, s7;
	v10 =	vor.u32 $0x380, v32;
	v36 =	vld.idx.msk [tilespmem:v11+s18+$0x0], $0xffff;
	[tilespmem:s1+$0x0] =	vst v20  }
0xe7: {  	s24 =	sadd.s32 s21, s22;
	v11 =	vadd.s32 $0x1000, v32;
	v38 =	vld.idx.msk [tilespmem:v12+s18+$0x0], $0xffff;
	[tilespmem:s7+$0x0] =	vst v22  }
0xe8: {  	v12 =	vadd.s32 $0x1080, v32;
	v39 =	vld.idx.msk [tilespmem:v13+s18+$0x0], $0xffff;
	[tilespmem:s24+$0x0] =	vst v24  }
0xe9: {  	s25 =	sadd.s32 s21, s26;
	s29 =	sld [smem:$0x7F2];
	v13 =	vadd.s32 $0x1100, v32;
	[tilespmem:s19+$0x0] =	vst v14  }
0xea: {  	v14 =	vadd.s32 $0x2280, v32;
	v40 =	vld.idx.msk [tilespmem:v9+s18+$0x0], $0xffff;
	[tilespmem:s25+$0x0] =	vst v26  }
0xeb: {  	s26 =	sld [smem:$0x7F1];
	[tilespmem:s19+$0x280] =	vst v42;
	v9 =	vadd.s32 $0x1180, v32;
	v37 =	vld.idx.msk [tilespmem:v10+s18+$0x0], $0xffff  }
0xec: {  	s1 =	rddreg [dreg:$0x1f];
	[tilespmem:v41+s29+$0x0 ss:$0x1] =	vst.idx.msk $0xffff, v46;
	v10 =	vadd.s32 $0x1200, v32;
	v31 =	vld.idx.msk [tilespmem:v11+s18+$0x0], $0xffff  }
0xed: {  	s15 =	rddreg [dreg:$0x14];
	[tilespmem:v41+s1+$0x0 ss:$0x1] =	vst.idx.msk $0xffff, v48;
	v11 =	vadd.s32 $0x1280, v32;
	v30 =	vld.idx.msk [tilespmem:v12+s18+$0x0], $0xffff  }
0xee: {  	s13 =	rddreg [dreg:$0x18];
	[tilespmem:s15+$0x0] =	vst v59;
	v59 =	vadd.s32 $0x3380, v32;
	v29 =	vld.idx.msk [tilespmem:v13+s18+$0x0], $0xffff  }
0xef: {  	[smem:$0x7F8] =	sst s11;
	v12 =	vadd.s32 $0x1300, v32;
	v14 =	vld.idx.msk [tilespmem:v14+s18+$0x0], $0xffff  }
0xf0: {  	s20 =	smov.u32 s14;
	s14 =	rddreg [dreg:$0x16];
	v13 =	vadd.s32 $0x1380, v32;
	v28 =	vld.idx.msk [tilespmem:v9+s18+$0x0], $0xffff  }
0xf1: {  	s2 =	sld [smem:$0x7F3];
	v9 =	vadd.s32 $0x2000, v32;
	v27 =	vld.idx.msk [tilespmem:v10+s18+$0x0], $0xffff  }
0xf2: {  	s3 =	rddreg [dreg:$0x1d];
	v10 =	vadd.s32 $0x2080, v32;
	v25 =	vld.idx.msk [tilespmem:v11+s18+$0x0], $0xffff  }
0xf3: {  	s5 =	rddreg [dreg:$0x1e];
	v11 =	vadd.s32 $0x2100, v32;
	v48 =	vld.idx.msk [tilespmem:v59+s18+$0x0], $0xffff  }
0xf4: {  	s8 =	rddreg [dreg:$0x1a];
	[tilespmem:s2+$0x0] =	vst v49;
	v23 =	vld.idx.msk [tilespmem:v12+s18+$0x0], $0xffff;
	v12 =	vadd.s32 $0x2180, v32  }
0xf5: {  	s9 =	rddreg [dreg:$0x1b];
	v15 =	vadd.s32 $0x2300, v32;
	[tilespmem:s3+$0x0] =	vst v50;
	v21 =	vld.idx.msk [tilespmem:v13+s18+$0x0], $0xffff  }
0xf6: {  	v18 =	vadd.s32 $0x3000, v32;
	s7 =	rddreg [dreg:$0x1c];
	[tilespmem:s5+$0x0] =	vst v51;
	v19 =	vld.idx.msk [tilespmem:v9+s18+$0x0], $0xffff  }
0xf7: {  	s12 =	rddreg [dreg:$0x17];
	v22 =	vadd.s32 $0x3100, v32;
	[tilespmem:s7+$0x0] =	vst v52;
	v17 =	vld.idx.msk [tilespmem:v10+s18+$0x0], $0xffff  }
0xf8: {  	s6 =	sadd.s32 $0x100, s26;
	s26 =	rddreg [dreg:$0xf];
	[tilespmem:s8+$0x0] =	vst v53;
	v13 =	vadd.s32 $0x2200, v32;
	v9 =	vld.idx.msk [tilespmem:v11+s18+$0x0], $0xffff  }
0xf9: {  	s10 =	rddreg [dreg:$0x19];
	v16 =	vadd.s32 $0x2380, v32;
	[tilespmem:s9+$0x0] =	vst v54;
	v10 =	vld.idx.msk [tilespmem:v12+s18+$0x0], $0xffff  }
0xfa: {  	s28 =	rddreg [dreg:$0xc];
	v20 =	vadd.s32 $0x3080, v32;
	[tilespmem:s10+$0x0] =	vst v55;
	v12 =	vld.idx.msk [tilespmem:v15+s18+$0x0], $0xffff  }
0xfb: {  	s16 =	rddreg [dreg:$0x15];
	v24 =	vadd.s32 $0x3180, v32;
	[tilespmem:s12+$0x0] =	vst v56;
	v15 =	vld.idx.msk [tilespmem:v18+s18+$0x0], $0xffff  }
0xfc: {  	s21 =	smov.u32 s23;
	s23 =	rddreg [dreg:$0x12];
	[tilespmem:s13+$0x0] =	vst v57;
	v57 =	vadd.s32 $0x3280, v32;
	v18 =	vld.idx.msk [tilespmem:v22+s18+$0x0], $0xffff  }
0xfd: {  	s4 =	sadd.s32 $0x2, s28;
	s28 =	rddreg [dreg:$0x11];
	v26 =	vadd.s32 $0x3200, v32;
	[tilespmem:s14+$0x0] =	vst v58;
	v11 =	vld.idx.msk [tilespmem:v13+s18+$0x0], $0xffff  }
0xfe: {  	p0 =	slt.u32 s4, $0x1E;
	s17 =	rddreg [dreg:$0x13];
	v58 =	vadd.s32 $0x3300, v32;
	[tilespmem:s16+$0x0] =	vst v60;
	v13 =	vld.idx.msk [tilespmem:v16+s18+$0x0], $0xffff  }
.Ltmp0:
0xff: {  	s22 =	sor.u32 s6, s11;
	s24 =	rddreg [dreg:$0x4];
	[tilespmem:s17+$0x0] =	vst v61;
	v16 =	vld.idx.msk [tilespmem:v20+s18+$0x0], $0xffff;
	v20 =	vshll.u32 v33, $0x3;
	(pc) =	sbr.rel @p0 .LBB2_3-.Ltmp0, $4  }
0x100: {  	s31 =	sor.u32 $0x380, s22;
	s19 =	sand.u32 $0xC00, s6;
	s25 =	rddreg [dreg:$0xe];
	[tilespmem:s23+$0x0] =	vst v62;
	v60 =	vand.u32 $0xFFFFFC00, v20;
	v20 =	vld.idx.msk [tilespmem:v24+s18+$0x0], $0xffff  }
0x101: {  	s29 =	rddreg [dreg:$0x10];
	s0 =	sadd.s32 $0x20, s25;
	s13 =	sadd.s32 s19, s24;
	[tilespmem:s28+$0x0] =	vst v63;
	v22 =	vand.u32 $0x7F, v33;
	v24 =	vld.idx.msk [tilespmem:v57+s18+$0x0], $0xffff  }
0x102: {  	s1 =	sadd.s32 $0x1, s26;
	[tilespmem:s29+$0x0] =	vst v0;
	s12 =	sadd.s32 $0x1000, s13;
	s2 =	sadd.s32 s21, s13;
	v32 =	vor.u32 v22, v60;
	v22 =	vld.idx.msk [tilespmem:v26+s18+$0x0], $0xffff  }
0x103: {  	s30 =	sadd.s32 $0x1080, s13;
	s5 =	sadd.s32 $0x1100, s13;
	s11 =	sadd.s32 $0x1180, s13;
	v26 =	vld.idx.msk [tilespmem:v58+s18+$0x0], $0xffff;
	[tilespmem:s2+$0x0] =	vst v1;
	v42 =	vor.u32 $0x80, v32;
	v43 =	vor.u32 $0x100, v32;
	v45 =	vor.u32 $0x180, v32  }
0x104: {  	[tilespmem:s2+$0x80] =	vst v34  }
0x105: {  	[tilespmem:s2+$0x100] =	vst v35  }
0x106: {  	[tilespmem:s2+$0x180] =	vst v36  }
0x107: {  	[tilespmem:s2+$0x200] =	vst v38  }
0x108: {  	[tilespmem:s2+$0x280] =	vst v39  }
0x109: {  	v39 =	vld [tilespmem:$0x1FFF0];
	_ =	sdelay $0x2  }
0x10a: {  	s0 =	sand.u32 $0x3, s1  }
0x10b: {  	s0 =	sshll.u32 s0, $0x5  }
0x10c: {  	s3 =	sadd.s32 s0, s6  }
0x10d: {  	s10 =	sadd.s32 $0x10, s3  }
0x10e: {  	s14 =	sor.u32 $0x300, s10  }
0x10f: {  	v60 =	vadd.s32 $0x2100, v32;
	s0 =	sadd.s32 $0x3380, s13;
	s1 =	sor.u32 $0x380, s10;
	[tilespmem:v39+s14+$0x0 ss:$0x1] =	vst.idx.msk $0xffff, v40  }
0x110: {  	v59 =	vadd.s32 $0x2080, v32;
	s15 =	sadd.s32 s21, s0;
	[tilespmem:v39+s1+$0x0 ss:$0x1] =	vst.idx.msk $0xffff, v37  }
0x111: {  	v0 =	vld.idx.msk [tilespmem:v32+s18+$0x0], $0xffff;
	[tilespmem:s15+$0x0] =	vst v48  }
0x112: {  	v44 =	vor.u32 $0x200, v32;
	v1 =	vld.idx.msk [tilespmem:v42+s18+$0x0], $0xffff;
	s1 =	rddreg [dreg:$0xd]  }
0x113: {  	v33 =	vld.idx.msk [tilespmem:v43+s18+$0x0], $0xffff;
	v61 =	vadd.s32 $0x2180, v32;
	[tilespmem:s1+$0x0] =	vst v47  }
0x114: {  	v46 =	vor.u32 $0x280, v32;
	v42 =	vld.idx.msk [tilespmem:v60+s18+$0x0], $0xffff;
	s1 =	rddreg [dreg:$0xb]  }
0x115: {  	v62 =	vadd.s32 $0x2200, v32;
	v40 =	vld.idx.msk [tilespmem:v59+s18+$0x0], $0xffff;
	[tilespmem:s1+$0x0] =	vst v2  }
0x116: {  	v48 =	vor.u32 $0x300, v32;
	v2 =	vld.idx.msk [tilespmem:v45+s18+$0x0], $0xffff;
	s1 =	rddreg [dreg:$0xa]  }
0x117: {  	v63 =	vadd.s32 $0x2280, v32;
	[tilespmem:s1+$0x0] =	vst v7;
	v7 =	vld.idx.msk [tilespmem:v44+s18+$0x0], $0xffff  }
0x118: {  	v59 =	vadd.s32 $0x3380, v32;
	v44 =	vld.idx.msk [tilespmem:v61+s18+$0x0], $0xffff;
	s1 =	rddreg [dreg:$0x9]  }
0x119: {  	v49 =	vor.u32 $0x380, v32;
	[tilespmem:s1+$0x0] =	vst v8;
	v8 =	vld.idx.msk [tilespmem:v46+s18+$0x0], $0xffff  }
0x11a: {  	v50 =	vadd.s32 $0x1000, v32;
	v46 =	vld.idx.msk [tilespmem:v62+s18+$0x0], $0xffff;
	s1 =	rddreg [dreg:$0x8]  }
0x11b: {  	v41 =	vadd.s32 $0x2300, v32;
	[tilespmem:s1+$0x0] =	vst v6;
	v6 =	vld.idx.msk [tilespmem:v48+s18+$0x0], $0xffff  }
0x11c: {  	v52 =	vadd.s32 $0x1100, v32;
	v48 =	vld.idx.msk [tilespmem:v63+s18+$0x0], $0xffff;
	s1 =	rddreg [dreg:$0x7]  }
0x11d: {  	v43 =	vadd.s32 $0x2380, v32;
	v63 =	vld.idx.msk [tilespmem:v59+s18+$0x0], $0xffff;
	[tilespmem:s1+$0x0] =	vst v5  }
0x11e: {  	v51 =	vadd.s32 $0x1080, v32;
	v5 =	vld.idx.msk [tilespmem:v49+s18+$0x0], $0xffff;
	s1 =	rddreg [dreg:$0x6]  }
0x11f: {  	v53 =	vadd.s32 $0x1180, v32;
	[tilespmem:s1+$0x0] =	vst v4;
	v4 =	vld.idx.msk [tilespmem:v50+s18+$0x0], $0xffff  }
0x120: {  	v54 =	vadd.s32 $0x1200, v32;
	s16 =	sadd.s32 s21, s12;
	v50 =	vld.idx.msk [tilespmem:v41+s18+$0x0], $0xffff  }
0x121: {  	v45 =	vadd.s32 $0x3000, v32;
	s1 =	rddreg [dreg:$0x5];
	[tilespmem:s16+$0x0] =	vst v31;
	v31 =	vld.idx.msk [tilespmem:v52+s18+$0x0], $0xffff  }
0x122: {  	v55 =	vadd.s32 $0x1280, v32;
	s17 =	sadd.s32 s21, s30;
	v52 =	vld.idx.msk [tilespmem:v43+s18+$0x0], $0xffff;
	[tilespmem:s1+$0x0] =	vst v3  }
0x123: {  	v56 =	vadd.s32 $0x1300, v32;
	s4 =	sadd.s32 s21, s5;
	v3 =	vld.idx.msk [tilespmem:v51+s18+$0x0], $0xffff;
	[tilespmem:s17+$0x0] =	vst v30  }
0x124: {  	s19 =	sadd.s32 s21, s11;
	v47 =	vadd.s32 $0x3080, v32;
	s1 =	sadd.s32 $0x1200, s13;
	v30 =	vld.idx.msk [tilespmem:v53+s18+$0x0], $0xffff;
	[tilespmem:s4+$0x0] =	vst v29  }
0x125: {  	v57 =	vadd.s32 $0x1380, v32;
	s2 =	sadd.s32 $0x1280, s13;
	v29 =	vld.idx.msk [tilespmem:v54+s18+$0x0], $0xffff;
	s22 =	sadd.s32 s21, s1;
	[tilespmem:s19+$0x0] =	vst v28  }
0x126: {  	v58 =	vadd.s32 $0x2000, v32;
	s7 =	sadd.s32 s21, s2;
	s4 =	sadd.s32 $0x1300, s13;
	v54 =	vld.idx.msk [tilespmem:v45+s18+$0x0], $0xffff;
	[tilespmem:s22+$0x0] =	vst v27  }
0x127: {  	s29 =	smov.u32 s5;
	s5 =	sadd.s32 $0x1380, s13;
	v49 =	vadd.s32 $0x3100, v32;
	v28 =	vld.idx.msk [tilespmem:v55+s18+$0x0], $0xffff;
	s8 =	sadd.s32 s21, s4;
	[tilespmem:s7+$0x0] =	vst v25  }
0x128: {  	s9 =	sadd.s32 s21, s5;
	s6 =	sadd.s32 $0x2000, s13;
	v53 =	vadd.s32 $0x3200, v32;
	v27 =	vld.idx.msk [tilespmem:v56+s18+$0x0], $0xffff;
	[tilespmem:s8+$0x0] =	vst v23  }
0x129: {  	s23 =	sadd.s32 s21, s6;
	v55 =	vadd.s32 $0x3280, v32;
	v56 =	vld.idx.msk [tilespmem:v47+s18+$0x0], $0xffff;
	s7 =	sadd.s32 $0x2080, s13;
	[tilespmem:s9+$0x0] =	vst v21  }
0x12a: {  	s10 =	sadd.s32 $0x2100, s13;
	v25 =	vld.idx.msk [tilespmem:v57+s18+$0x0], $0xffff;
	v57 =	vadd.s32 $0x3300, v32;
	s24 =	sadd.s32 s21, s7;
	[tilespmem:s23+$0x0] =	vst v19  }
0x12b: {  	s25 =	sadd.s32 s21, s10;
	s14 =	sadd.s32 $0x2180, s13;
	v51 =	vadd.s32 $0x3180, v32;
	v23 =	vld.idx.msk [tilespmem:v58+s18+$0x0], $0xffff;
	[tilespmem:s24+$0x0] =	vst v17  }
0x12c: {  	s26 =	sadd.s32 s21, s14;
	s15 =	sadd.s32 $0x2200, s13;
	v58 =	vld.idx.msk [tilespmem:v49+s18+$0x0], $0xffff;
	[tilespmem:s25+$0x0] =	vst v9  }
0x12d: {  	s28 =	sadd.s32 s21, s15;
	s16 =	sadd.s32 $0x2280, s13;
	v60 =	vld.idx.msk [tilespmem:v53+s18+$0x0], $0xffff;
	[tilespmem:s26+$0x0] =	vst v10  }
0x12e: {  	s17 =	sadd.s32 $0x2300, s13;
	s9 =	sadd.s32 s21, s16;
	v61 =	vld.idx.msk [tilespmem:v55+s18+$0x0], $0xffff;
	[tilespmem:s28+$0x0] =	vst v11  }
0x12f: {  	s19 =	sadd.s32 s21, s17;
	v62 =	vld.idx.msk [tilespmem:v57+s18+$0x0], $0xffff;
	[tilespmem:s9+$0x0] =	vst v14  }
0x130: {  	v14 =	vld.idx.msk [tilespmem:v51+s18+$0x0], $0xffff;
	s18 =	sadd.s32 s20, s13;
	[tilespmem:s19+$0x0] =	vst v12  }
0x131: {  	[tilespmem:s18+$0x80] =	vst v1  }
0x132: {  	[tilespmem:s18+$0x100] =	vst v33  }
0x133: {  	[tilespmem:s18+$0x180] =	vst v2  }
0x134: {  	[tilespmem:s18+$0x200] =	vst v7  }
0x135: {  	s8 =	sadd.s32 $0x2380, s13;
	[tilespmem:s18+$0x280] =	vst v8  }
0x136: {  	s22 =	sadd.s32 s21, s8;
	[tilespmem:s18+$0x0] =	vst v0  }
0x137: {  	s3 =	sor.u32 $0x300, s3;
	s19 =	sadd.s32 $0x3000, s13;
	[tilespmem:s22+$0x0] =	vst v13  }
0x138: {  	s23 =	sadd.s32 s21, s19;
	[tilespmem:v39+s3+$0x0 ss:$0x1] =	vst.idx.msk $0xffff, v6  }
0x139: {  	s22 =	sadd.s32 $0x3080, s13;
	[tilespmem:s23+$0x0] =	vst v15  }
0x13a: {  	s23 =	sadd.s32 $0x3100, s13;
	s24 =	sadd.s32 s21, s22;
	[tilespmem:v39+s31+$0x0 ss:$0x1] =	vst.idx.msk $0xffff, v5  }
0x13b: {  	[tilespmem:s24+$0x0] =	vst v16;
	s24 =	sadd.s32 $0x3180, s13;
	s25 =	sadd.s32 s21, s23  }
0x13c: {  	[tilespmem:s25+$0x0] =	vst v18;
	s25 =	sadd.s32 $0x3200, s13;
	s26 =	sadd.s32 s21, s24  }
0x13d: {  	[tilespmem:s26+$0x0] =	vst v20;
	s26 =	sadd.s32 $0x3280, s13;
	s28 =	sadd.s32 s21, s25  }
0x13e: {  	s9 =	sadd.s32 $0x3300, s13;
	[tilespmem:s28+$0x0] =	vst v22;
	s28 =	sadd.s32 s21, s26  }
0x13f: {  	[tilespmem:s28+$0x0] =	vst v24;
	s28 =	sadd.s32 s21, s9  }
0x140: {  	s21 =	sadd.s32 s20, s12;
	[tilespmem:s28+$0x0] =	vst v26  }
0x141: {  	[tilespmem:s21+$0x0] =	vst v4;
	s28 =	sadd.s32 s20, s30  }
0x142: {  	s30 =	sadd.s32 s20, s29;
	[tilespmem:s28+$0x0] =	vst v3  }
0x143: {  	s31 =	sadd.s32 s20, s11;
	[tilespmem:s30+$0x0] =	vst v31  }
0x144: {  	s1 =	sadd.s32 s20, s1;
	[tilespmem:s31+$0x0] =	vst v30  }
0x145: {  	s3 =	sadd.s32 s20, s2;
	[tilespmem:s1+$0x0] =	vst v29  }
0x146: {  	s4 =	sadd.s32 s20, s4;
	[tilespmem:s3+$0x0] =	vst v28  }
0x147: {  	s5 =	sadd.s32 s20, s5;
	[tilespmem:s4+$0x0] =	vst v27  }
0x148: {  	s6 =	sadd.s32 s20, s6;
	[tilespmem:s5+$0x0] =	vst v25  }
0x149: {  	s11 =	sadd.s32 s20, s7;
	[tilespmem:s6+$0x0] =	vst v23  }
0x14a: {  	s12 =	sadd.s32 s20, s10;
	[tilespmem:s11+$0x0] =	vst v40  }
0x14b: {  	s13 =	sadd.s32 s20, s14;
	[tilespmem:s12+$0x0] =	vst v42  }
0x14c: {  	s14 =	sadd.s32 s20, s15;
	[tilespmem:s13+$0x0] =	vst v44  }
0x14d: {  	s15 =	sadd.s32 s20, s16;
	[tilespmem:s14+$0x0] =	vst v46  }
0x14e: {  	s16 =	sadd.s32 s20, s17;
	[tilespmem:s15+$0x0] =	vst v48  }
0x14f: {  	s17 =	sadd.s32 s20, s8;
	[tilespmem:s16+$0x0] =	vst v50  }
0x150: {  	s18 =	sadd.s32 s20, s19;
	[tilespmem:s17+$0x0] =	vst v52  }
0x151: {  	s19 =	sadd.s32 s20, s22;
	[tilespmem:s18+$0x0] =	vst v54  }
0x152: {  	s21 =	sadd.s32 s20, s23;
	[tilespmem:s19+$0x0] =	vst v56  }
0x153: {  	s22 =	sadd.s32 s20, s24;
	[tilespmem:s21+$0x0] =	vst v58  }
0x154: {  	s23 =	sadd.s32 s20, s25;
	[tilespmem:s22+$0x0] =	vst v14  }
0x155: {  	s24 =	sadd.s32 s20, s26;
	[tilespmem:s23+$0x0] =	vst v60  }
0x156: {  	s26 =	sadd.s32 s20, s9;
	s25 =	sld [smem:$0x7F5];
	[tilespmem:s24+$0x0] =	vst v61  }
0x157: {  	s0 =	sadd.s32 s20, s0;
	s5 =	sld [smem:$0x7FD];
	[tilespmem:s26+$0x0] =	vst v62  }
0x158: {  	[tilespmem:s0+$0x0] =	vst v63  }
0x159: {  	s4 =	sld [smem:$0x7F4];
	_ =	sdelay $0x2  }
0x15a: {  	p0 =	sne.s32 s4, $0x20  }
.Ltmp1:
0x15b: {  	s2 =	sshll.u32 s25, $0x13;
	(pc) =	sbr.rel @p0 .LBB2_2-.Ltmp1, $4  }
0x15c: {  	s2 =	sadd.s32 s5, s2  }
0x15d: {  	s29 =	rddreg [dreg:$0x2];
	s28 =	sshrl.u32 s2, $0x3  }
0x15e: {  	s30 =	simm.s32 $0x0;
	s31 =	rddreg [dreg:$0x4];
	s0 =	sadd.s32 s29, s28  }
0x15f: {  	[hbm4b:s0+s30] =	stream.linear.scatter [tilespmem:s31], [sflag:$0x2], $0x4000, $0x38;
	[tilespmem:$0x10200] =	vst v63  }
0x160: {  	s1 =	simm.s32 $0x2  }
0x161: {  	_ =	swait.ge [sflag:s1], $0x4000  }
0x162: {  	[sflag:s1] =	ssyncset.done $0x0  }
0x163: {  	[sflag:s1] =	ssyncadd.s32 $0xFFFFC000  }
0x164: {  	_ =	swait.ge [sflag:s1], $0x4000  }
0x165: {  	s2 =	sld [smem:$0x7F9]  }
0x166: {  	s0 =	sld [smem:$0x7FC];
	_ =	sdelay $0x1  }
0x167: {  	s2 =	sadd.s32 $0x1, s2  }
0x168: {  	p0 =	sne.s32 s2, s0  }
.Ltmp2:
0x169: {  	_ = 	snop;
	(pc) =	sbr.rel @p0 .LBB2_1-.Ltmp2, $3  }
0x16a: {  	_ =	sdelay $0x1  }
0x16b: {  	[sflag:s1] =	ssyncset.done $0x0  }
0x16c: {  	[sflag:s1] =	ssyncadd.s32 $0xFFFFC000  }
0x16d: {  	_ =	sfence.sel $0x180000  }
0x16e: {  	[bflag:$0x0] =	sbarrier.arrive $0xFFFF  }
0x16f: {  	_ =	strace $0x90000047  }
0x170: {  	s0 =	stileid.u32;
	[bflag:$0x2] =	sbarrier.arrive $0xFFFF  }
0x171: {  	p0 =	sne.s32 s0, $0x0;
	s0 =	rddreg [dreg:$0x3]  }
0x172: {  	s0 =	sadd.s32 @!p0 $0x100000, s0  }
0x173: {  	[sflag:s0] =	ssyncadd.tile.s32 @!p0 $0x1;
	_ =	shalt  }
.Lfunc_end2:
_tile_overlayer_lowered:
.L_overlay_start_2:
0x174: {  	(tag) =	ssettag $0x2  }
0x175: {  	s0 =	rddreg [dreg:$0x0];
	s2 =	stileid.u32  }
0x176: {  	s1 =	rddreg [dreg:$0x1];
	p0 =	sne.s32 s2, $0x0  }
0x177: {  	s3 =	rddreg [dreg:$0x2];
	[bflag:$0x3] =	sbarrier.arrive $0xFFFF;
	s2 =	simm.s32 @!p0 $0x1C03  }
0x178: {  	[timem:s3], [sflag:s2] =	dma.local @!p0 [hbm:s0], s1  }
0x179: {  	s0 =	simm.s32 @!p0 $0x3  }
0x17a: {  	_ =	swait.ge @!p0 [sflag:s0], s1  }
0x17b: {  	s1 =	ssub.s32 @!p0 $0x0, s1;
	[sflag:s0] =	ssyncset.done @!p0 $0x0  }
0x17c: {  	[sflag:s0] =	ssyncadd.s32 @!p0 s1  }
0x17d: {  	[bflag:$0x3] =	sbarrier.arrive $0xFFFF  }
0x17e: {  	_ =	shalt  }

</sc_bundles>
